<compile_context>
chip_gen: v7x
topology: tpu7x:2x2x1
jax: 0.10.2.dev20260603
libtpu: 0.0.44.dev20260713+nightly
codegen_flags: <defaults>
</compile_context>

<pallas_src>
import functools

import jax
import jax.numpy as jnp
from jax import lax
from jax.experimental import pallas as pl
from jax.experimental.pallas import tpu as pltpu
from jax.experimental.pallas import tpu_sc as plsc

N = 10000
D = 128
K = 64
H = 128
R2 = 0.12 * 0.12

NW = 32
QPW = 320
NP = NW * QPW
NV = NP // 16
BQ = 64
PAD_POS = 1e9


def _prep_body(x_ref, pos_ref, w1a_ref, w1b_ref, b1_ref, s_ref, q_ref):
    pw = (pos_ref[:, 0:1] * w1b_ref[0:1, :]
          + pos_ref[:, 1:2] * w1b_ref[1:2, :]
          + pos_ref[:, 2:3] * w1b_ref[2:3, :])
    xw = lax.dot_general(x_ref[...], w1a_ref[...], (((1,), (0,)), ((), ())),
                         preferred_element_type=jnp.float32)
    s_ref[...] = xw + pw
    q_ref[...] = b1_ref[...] - pw


def _prep(xp, posp, w1a, w1b, b1r):
    blk = 256
    return pl.pallas_call(
        _prep_body,
        grid=(NP // blk,),
        in_specs=[
            pl.BlockSpec((blk, D), lambda i: (i, 0)),
            pl.BlockSpec((blk, 3), lambda i: (i, 0)),
            pl.BlockSpec((D, H), lambda i: (0, 0)),
            pl.BlockSpec((3, H), lambda i: (0, 0)),
            pl.BlockSpec((1, H), lambda i: (0, 0)),
        ],
        out_specs=[
            pl.BlockSpec((blk, H), lambda i: (i, 0)),
            pl.BlockSpec((blk, H), lambda i: (i, 0)),
        ],
        out_shape=[
            jax.ShapeDtypeStruct((NP, H), jnp.float32),
            jax.ShapeDtypeStruct((NP, H), jnp.float32),
        ],
    )(xp, posp, w1a, w1b, b1r)


_mesh = plsc.VectorSubcoreMesh(core_axis_name="c", subcore_axis_name="s")


@functools.partial(
    pl.kernel,
    mesh=_mesh,
    out_type=[
        jax.ShapeDtypeStruct((NP * K, H), jnp.float32),
        jax.ShapeDtypeStruct((NP,), jnp.int32),
    ],
    scratch_types=[
        pltpu.VMEM((NP,), jnp.float32),
        pltpu.VMEM((NP,), jnp.float32),
        pltpu.VMEM((NP,), jnp.float32),
        pltpu.VMEM((NP,), jnp.float32),
        pltpu.VMEM((NP + 32,), jnp.float32),
        pltpu.VMEM((NP + 32,), jnp.int32),
        pltpu.VMEM((QPW * K,), jnp.int32),
        pltpu.VMEM((QPW,), jnp.int32),
        pltpu.VMEM((128, H), jnp.float32),
        pltpu.VMEM((128, H), jnp.float32),
        pltpu.SemaphoreType.DMA,
        pltpu.SemaphoreType.DMA,
        pltpu.SemaphoreType.DMA,
        pltpu.SemaphoreType.DMA,
    ],
    compiler_params=pltpu.CompilerParams(needs_layout_passes=False),
)
def _search(posx_hbm, posy_hbm, posz_hbm, posxb_hbm, posyb_hbm, poszb_hbm,
            s_hbm, sg_hbm, cnt_hbm, px, py, pz, sq, cd, ci, nbrs, cnts,
            rows0, rows1, semg0, semg1, semw0, semw1):
    cid = lax.axis_index("c")
    sid = lax.axis_index("s")
    wid = sid * 2 + cid
    q0 = wid * QPW

    pltpu.sync_copy(posx_hbm, px)
    pltpu.sync_copy(posy_hbm, py)
    pltpu.sync_copy(posz_hbm, pz)

    lanes = lax.iota(jnp.int32, 16)
    lane0 = lanes == 0
    inf16 = jnp.full((16,), jnp.inf, jnp.float32)

    def sq4(v4, carry):
        for u in range(4):
            base = (v4 * 4 + u) * 16
            xv = px[pl.ds(base, 16)]
            yv = py[pl.ds(base, 16)]
            zv = pz[pl.ds(base, 16)]
            sq[pl.ds(base, 16)] = (xv * xv + yv * yv) + zv * zv
        return carry

    lax.fori_loop(0, NV // 4, sq4, jnp.int32(0))

    pltpu.sync_copy(posxb_hbm, px)
    pltpu.sync_copy(posyb_hbm, py)
    pltpu.sync_copy(poszb_hbm, pz)

    def per_query(qi, carry):
        q = q0 + qi
        qs = jnp.full((16,), q, jnp.int32)
        qx = plsc.load_gather(px, [qs])
        qy = plsc.load_gather(py, [qs])
        qz = plsc.load_gather(pz, [qs])
        qsq = plsc.load_gather(sq, [qs])

        def scan4(v4, off):
            for u in range(8):
                base = (v4 * 8 + u) * 16
                dot = (qx * px[pl.ds(base, 16)]
                       + qy * py[pl.ds(base, 16)]) + qz * pz[pl.ds(base, 16)]
                d2 = (qsq + sq[pl.ds(base, 16)]) - 2.0 * dot
                m = d2 <= R2
                plsc.store_compressed(cd.at[pl.ds(off, 16)], d2, mask=m)
                plsc.store_compressed(ci.at[pl.ds(off, 16)], base + lanes, mask=m)
                off = off + jnp.sum(m.astype(jnp.int32))
            return off

        C = lax.fori_loop(0, NV // 8, scan4, jnp.int32(0))
        cd[pl.ds(C, 16)] = inf16
        cnt = jnp.minimum(C, K)
        vc = (C + 15) // 16

        plsc.store_scatter(nbrs, [jnp.full((16,), qi * K, jnp.int32)], qs,
                           mask=lane0)

        @pl.when((C >= 1) & (C <= K))
        def _copy_all():
            for t in range(4):
                nbrs[pl.ds(qi * K + t * 16, 16)] = ci[pl.ds(t * 16, 16)]

        def extract(k, _):
            def m1(v, acc):
                return jnp.minimum(acc, cd[pl.ds(v * 16, 16)])

            mv = lax.fori_loop(0, vc, m1, inf16)
            mn = jnp.min(mv)

            def m2(v, acc):
                d = cd[pl.ds(v * 16, 16)]
                p = v * 16 + lanes
                return jnp.minimum(acc, jnp.where(d == mn, p, NP * 4))

            pv = lax.fori_loop(0, vc, m2, jnp.full((16,), NP * 4, jnp.int32))
            p = jnp.min(pv)
            ps = jnp.full((16,), p, jnp.int32)
            nv = plsc.load_gather(ci, [ps])
            plsc.store_scatter(nbrs, [jnp.full((16,), qi * K + k, jnp.int32)],
                               nv, mask=lane0)
            plsc.store_scatter(cd, [ps], inf16, mask=lane0)
            return _

        @pl.when(C > K)
        def _extract_topk():
            lax.fori_loop(0, cnt, extract, jnp.int32(0))

        nbr0 = plsc.load_gather(nbrs, [jnp.full((16,), qi * K, jnp.int32)])
        for t in range(4):
            kvec = t * 16 + lanes
            plsc.store_scatter(nbrs, [qi * K + kvec], nbr0, mask=kvec >= cnt)
        plsc.store_scatter(cnts, [jnp.full((16,), qi, jnp.int32)],
                           jnp.full((16,), cnt, jnp.int32), mask=lane0)
        return carry

    lax.fori_loop(0, QPW, per_query, jnp.int32(0))
    pltpu.sync_copy(cnts, cnt_hbm.at[pl.ds(q0, QPW)])

    row0 = q0 * K

    def gpair(p, carry):
        ch0 = 2 * p
        ga = pltpu.async_copy(
            s_hbm.at[nbrs.at[pl.ds(ch0 * 128, 128)]], rows0, semg0)
        gb = pltpu.async_copy(
            s_hbm.at[nbrs.at[pl.ds((ch0 + 1) * 128, 128)]], rows1, semg1)
        ga.wait()
        wa = pltpu.async_copy(
            rows0, sg_hbm.at[pl.ds(row0 + ch0 * 128, 128)], semw0)
        gb.wait()
        wb = pltpu.async_copy(
            rows1, sg_hbm.at[pl.ds(row0 + (ch0 + 1) * 128, 128)], semw1)
        wa.wait()
        wb.wait()
        return carry

    lax.fori_loop(0, QPW * K // 256, gpair, jnp.int32(0))


def _conv_body(sg_ref, q_ref, w2_ref, b2_ref, o_ref):
    z3 = sg_ref[...].reshape(BQ, K, H) + q_ref[...][:, None, :]
    z = jnp.maximum(z3, 0.0).reshape(BQ * K, H)
    h = lax.dot_general(z, w2_ref[...], (((1,), (0,)), ((), ())),
                        preferred_element_type=jnp.float32) + b2_ref[...]
    o_ref[...] = jnp.max(h.reshape(BQ, K, H), axis=1)


def _conv(sg, q, W2, b2r):
    return pl.pallas_call(
        _conv_body,
        grid=(NP // BQ,),
        in_specs=[
            pl.BlockSpec((BQ * K, H), lambda i: (i, 0)),
            pl.BlockSpec((BQ, H), lambda i: (i, 0)),
            pl.BlockSpec((H, H), lambda i: (0, 0)),
            pl.BlockSpec((1, H), lambda i: (0, 0)),
        ],
        out_specs=pl.BlockSpec((BQ, H), lambda i: (i, 0)),
        out_shape=jax.ShapeDtypeStruct((NP, H), jnp.float32),
    )(sg, q, W2, b2r)


def kernel(x, pos, batch, W1, b1, W2, b2):
    pad = NP - N
    xp = jnp.concatenate([x, jnp.zeros((pad, D), jnp.float32)], axis=0)
    posp = jnp.concatenate(
        [pos, jnp.full((pad, 3), PAD_POS, jnp.float32)], axis=0)
    w1a = W1[:D]
    w1b = W1[D:]
    b1r = b1.reshape(1, H)
    b2r = b2.reshape(1, H)

    posb = lax.reduce_precision(posp, exponent_bits=8, mantissa_bits=7)
    s, q = _prep(xp, posp, w1a, w1b, b1r)
    sg, cnt = _search(posp[:, 0], posp[:, 1], posp[:, 2],
                      posb[:, 0], posb[:, 1], posb[:, 2], s)
    outp = _conv(sg, q, W2, b2r)
    out = jnp.where(cnt[:N, None] > 0, outp[:N], jnp.float32(-1e30))
    return (out, pos, batch)

# --- scband reference (transcript-rebuilt; emitter-appended) ---
"""Pipeline reference for scband-samodule-23278722744324 (READ-ONLY COPY).

The authoritative reference and input builder live on the scoring server;
editing this copy changes nothing except your own understanding.
"""

import jax, jax.numpy as jnp
import numpy as np

N = 10000
D = 128
K = 64
R = 0.12
H = 128

def setup_inputs(seed: int = 0):
    key = jax.random.key(seed)
    k1, k2, k3, k4 = jax.random.split(key, 4)
    x = jax.random.normal(k1, (N, D), dtype=jnp.float32)
    pos = jax.random.uniform(k2, (N, 3), dtype=jnp.float32)
    batch = jnp.zeros((N,), dtype=jnp.int32)
    W1 = jax.random.normal(k3, (D + 3, H), dtype=jnp.float32) / np.sqrt(D + 3)
    b1 = jnp.zeros((H,), dtype=jnp.float32)
    W2 = jax.random.normal(k4, (H, H), dtype=jnp.float32) / np.sqrt(H)
    b2 = jnp.zeros((H,), dtype=jnp.float32)
    return {"x": x, "pos": pos, "batch": batch, "W1": W1, "b1": b1, "W2": W2, "b2": b2}

def _radius_neighbors(pos, batch):
    # torch_geometric.nn.radius: for each query i, up to K neighbors j with |pos_j - pos_i| <= R
    sq = jnp.sum(pos * pos, axis=1)
    d2 = sq[:, None] + sq[None, :] - 2.0 * (pos @ pos.T)
    same = batch[:, None] == batch[None, :]
    within = (d2 <= R * R) & same
    score = jnp.where(within, -d2, -jnp.inf)
    vals, nbr = jax.lax.top_k(score, K)  # nearest K within radius
    valid = jnp.isfinite(vals)
    return nbr, valid

def reference(x, pos, batch, W1, b1, W2, b2):
    # SAModule with idx = arange(N): query set == full point set (ratio unused in this forward)
    nbr, valid = _radius_neighbors(pos, batch)
    # PointNetConv message: local_nn(concat([x_j, pos_j - pos_i])), aggr = max
    x_j = x[nbr]                          # [N, K, D] gather
    rel = pos[nbr] - pos[:, None, :]       # [N, K, 3]
    h = jnp.concatenate([x_j, rel], axis=-1)  # [N, K, D+3]
    h = jax.nn.relu(h @ W1 + b1)
    h = h @ W2 + b2
    h = jnp.where(valid[:, :, None], h, -1e30)
    out = jnp.max(h, axis=1)               # max aggregation over neighbors
    return (out, pos, batch)

if __name__ == "__main__":
    import jax
    _d = setup_inputs()
    print(jax.jit(kernel)(*tuple(_d.values())))

</pallas_src>

<mosaic_0001>
#map = affine_map<(d0, d1) -> (0)>
#map1 = affine_map<(d0, d1) -> (0, 0)>
module attributes {stable_mosaic.version = 14 : i64} {
  func.func @_search(%arg0: i32, %arg1: i32, %arg2: memref<10240xf32, #tpu.memory_space<hbm>>, %arg3: memref<10240xf32, #tpu.memory_space<hbm>>, %arg4: memref<10240xf32, #tpu.memory_space<hbm>>, %arg5: memref<10240xf32, #tpu.memory_space<hbm>>, %arg6: memref<10240xf32, #tpu.memory_space<hbm>>, %arg7: memref<10240xf32, #tpu.memory_space<hbm>>, %arg8: memref<10240x128xf32, #tpu.memory_space<hbm>>, %arg9: memref<655360x128xf32, #tpu.memory_space<hbm>>, %arg10: memref<10240xi32, #tpu.memory_space<hbm>>, %arg11: memref<10240xf32, #tpu.memory_space<vmem>>, %arg12: memref<10240xf32, #tpu.memory_space<vmem>>, %arg13: memref<10240xf32, #tpu.memory_space<vmem>>, %arg14: memref<10240xf32, #tpu.memory_space<vmem>>, %arg15: memref<10272xf32, #tpu.memory_space<vmem>>, %arg16: memref<10272xi32, #tpu.memory_space<vmem>>, %arg17: memref<20480xi32, #tpu.memory_space<vmem>>, %arg18: memref<320xi32, #tpu.memory_space<vmem>>, %arg19: memref<128x128xf32, #tpu.memory_space<vmem>>, %arg20: memref<128x128xf32, #tpu.memory_space<vmem>>, %arg21: memref<!tpu.dma_semaphore, #tpu.memory_space<semaphore_mem>>, %arg22: memref<!tpu.dma_semaphore, #tpu.memory_space<semaphore_mem>>, %arg23: memref<!tpu.dma_semaphore, #tpu.memory_space<semaphore_mem>>, %arg24: memref<!tpu.dma_semaphore, #tpu.memory_space<semaphore_mem>>) attributes {dimension_semantics = [#tpu.dimension_semantics<core_parallel>, #tpu.dimension_semantics<subcore_parallel>], iteration_bounds = array<i64: 2, 16>, scalar_prefetch = 0 : i64, scratch_operands = 14 : i64, tpu.core_type = #tpu.core_type<sc_vector_subcore>, window_params = [{transform_indices = #map}, {transform_indices = #map}, {transform_indices = #map}, {transform_indices = #map}, {transform_indices = #map}, {transform_indices = #map}, {transform_indices = #map1}, {transform_indices = #map1}, {transform_indices = #map}]} {
    %mul3A = arith.constant 2 : i32
    %mul3A_0 = arith.muli %arg1, %mul3A : i32
    %add3A = arith.addi %mul3A_0, %arg0 : i32
    %mul3A_1 = arith.constant 320 : i32
    %mul3A_2 = arith.muli %add3A, %mul3A_1 : i32
    "tpu.region"() ({
      %run_scoped3A = tpu.sem_alloc : memref<!tpu.dma_semaphore, #tpu.memory_space<semaphore_mem>>
      tpu.enqueue_dma source(%arg2 : memref<10240xf32, #tpu.memory_space<hbm>>) target(%arg11 : memref<10240xf32, #tpu.memory_space<vmem>>) target_semaphore(%run_scoped3A : memref<!tpu.dma_semaphore, #tpu.memory_space<semaphore_mem>>)
      tpu.wait_dma2 semaphore(%run_scoped3A : memref<!tpu.dma_semaphore, #tpu.memory_space<semaphore_mem>>) src(%arg2 : memref<10240xf32, #tpu.memory_space<hbm>>) dst(%arg11 : memref<10240xf32, #tpu.memory_space<vmem>>)
      tpu.yield
    }) : () -> ()
    "tpu.region"() ({
      %run_scoped3A = tpu.sem_alloc : memref<!tpu.dma_semaphore, #tpu.memory_space<semaphore_mem>>
      tpu.enqueue_dma source(%arg3 : memref<10240xf32, #tpu.memory_space<hbm>>) target(%arg12 : memref<10240xf32, #tpu.memory_space<vmem>>) target_semaphore(%run_scoped3A : memref<!tpu.dma_semaphore, #tpu.memory_space<semaphore_mem>>)
      tpu.wait_dma2 semaphore(%run_scoped3A : memref<!tpu.dma_semaphore, #tpu.memory_space<semaphore_mem>>) src(%arg3 : memref<10240xf32, #tpu.memory_space<hbm>>) dst(%arg12 : memref<10240xf32, #tpu.memory_space<vmem>>)
      tpu.yield
    }) : () -> ()
    "tpu.region"() ({
      %run_scoped3A = tpu.sem_alloc : memref<!tpu.dma_semaphore, #tpu.memory_space<semaphore_mem>>
      tpu.enqueue_dma source(%arg4 : memref<10240xf32, #tpu.memory_space<hbm>>) target(%arg13 : memref<10240xf32, #tpu.memory_space<vmem>>) target_semaphore(%run_scoped3A : memref<!tpu.dma_semaphore, #tpu.memory_space<semaphore_mem>>)
      tpu.wait_dma2 semaphore(%run_scoped3A : memref<!tpu.dma_semaphore, #tpu.memory_space<semaphore_mem>>) src(%arg4 : memref<10240xf32, #tpu.memory_space<hbm>>) dst(%arg13 : memref<10240xf32, #tpu.memory_space<vmem>>)
      tpu.yield
    }) : () -> ()
    %iota3A = tpu.iota {dimensions = array<i32: 0>} : vector<16xi32>
    %eq3A = arith.constant 0 : i32
    %eq3A_3 = vector.broadcast %eq3A : i32 to vector<16xi32>
    %eq3A_4 = arith.cmpi eq, %iota3A, %eq3A_3 : vector<16xi32>
    %broadcast_in_dim3A = arith.constant 0x7F800000 : f32
    %broadcast_in_dim3A_5 = vector.broadcast %broadcast_in_dim3A : f32 to vector<16xf32>
    %scan3A = arith.constant 0 : i32
    %scan3A_6 = arith.constant 0 : i32
    %scan3A_7 = arith.constant 160 : i32
    %scan3A_8 = arith.addi %scan3A_6, %scan3A_7 : i32
    %scan3A_9 = arith.constant 1 : i32
    scf.for %scan3A_25 = %scan3A_6 to %scan3A_8 step %scan3A_9  : i32 {
      %mul3A_26 = arith.constant 4 : i32
      %mul3A_27 = arith.muli %scan3A_25, %mul3A_26 : i32
      %add3A_28 = arith.constant 0 : i32
      %add3A_29 = arith.addi %mul3A_27, %add3A_28 : i32
      %mul3A_30 = arith.constant 16 : i32
      %mul3A_31 = arith.muli %add3A_29, %mul3A_30 : i32
      %get3A = arith.index_cast %mul3A_31 : i32 to index
      %get3A_32 = tpu.vector_load %arg11[%get3A] {strides = array<i32>} : memref<10240xf32, #tpu.memory_space<vmem>>, vector<16xf32>,
      %get3A_33 = arith.index_cast %mul3A_31 : i32 to index
      %get3A_34 = tpu.vector_load %arg12[%get3A_33] {strides = array<i32>} : memref<10240xf32, #tpu.memory_space<vmem>>, vector<16xf32>,
      %get3A_35 = arith.index_cast %mul3A_31 : i32 to index
      %get3A_36 = tpu.vector_load %arg13[%get3A_35] {strides = array<i32>} : memref<10240xf32, #tpu.memory_space<vmem>>, vector<16xf32>,
      %mul3A_37 = arith.mulf %get3A_32, %get3A_32 : vector<16xf32>
      %mul3A_38 = arith.mulf %get3A_34, %get3A_34 : vector<16xf32>
      %add3A_39 = arith.addf %mul3A_37, %mul3A_38 : vector<16xf32>
      %mul3A_40 = arith.mulf %get3A_36, %get3A_36 : vector<16xf32>
      %add3A_41 = arith.addf %add3A_39, %mul3A_40 : vector<16xf32>
      %swap3A = arith.index_cast %mul3A_31 : i32 to index
      %swap3A_42 = tpu.vector_load %arg14[%swap3A] {strides = array<i32>} : memref<10240xf32, #tpu.memory_space<vmem>>, vector<16xf32>,
      tpu.vector_store %arg14[%swap3A], %add3A_41 {strides = array<i32>} : memref<10240xf32, #tpu.memory_space<vmem>>, vector<16xf32>,
      %mul3A_43 = arith.constant 4 : i32
      %mul3A_44 = arith.muli %scan3A_25, %mul3A_43 : i32
      %add3A_45 = arith.constant 1 : i32
      %add3A_46 = arith.addi %mul3A_44, %add3A_45 : i32
      %mul3A_47 = arith.constant 16 : i32
      %mul3A_48 = arith.muli %add3A_46, %mul3A_47 : i32
      %get3A_49 = arith.index_cast %mul3A_48 : i32 to index
      %get3A_50 = tpu.vector_load %arg11[%get3A_49] {strides = array<i32>} : memref<10240xf32, #tpu.memory_space<vmem>>, vector<16xf32>,
      %get3A_51 = arith.index_cast %mul3A_48 : i32 to index
      %get3A_52 = tpu.vector_load %arg12[%get3A_51] {strides = array<i32>} : memref<10240xf32, #tpu.memory_space<vmem>>, vector<16xf32>,
      %get3A_53 = arith.index_cast %mul3A_48 : i32 to index
      %get3A_54 = tpu.vector_load %arg13[%get3A_53] {strides = array<i32>} : memref<10240xf32, #tpu.memory_space<vmem>>, vector<16xf32>,
      %mul3A_55 = arith.mulf %get3A_50, %get3A_50 : vector<16xf32>
      %mul3A_56 = arith.mulf %get3A_52, %get3A_52 : vector<16xf32>
      %add3A_57 = arith.addf %mul3A_55, %mul3A_56 : vector<16xf32>
      %mul3A_58 = arith.mulf %get3A_54, %get3A_54 : vector<16xf32>
      %add3A_59 = arith.addf %add3A_57, %mul3A_58 : vector<16xf32>
      %swap3A_60 = arith.index_cast %mul3A_48 : i32 to index
      %swap3A_61 = tpu.vector_load %arg14[%swap3A_60] {strides = array<i32>} : memref<10240xf32, #tpu.memory_space<vmem>>, vector<16xf32>,
      tpu.vector_store %arg14[%swap3A_60], %add3A_59 {strides = array<i32>} : memref<10240xf32, #tpu.memory_space<vmem>>, vector<16xf32>,
      %mul3A_62 = arith.constant 4 : i32
      %mul3A_63 = arith.muli %scan3A_25, %mul3A_62 : i32
      %add3A_64 = arith.constant 2 : i32
      %add3A_65 = arith.addi %mul3A_63, %add3A_64 : i32
      %mul3A_66 = arith.constant 16 : i32
      %mul3A_67 = arith.muli %add3A_65, %mul3A_66 : i32
      %get3A_68 = arith.index_cast %mul3A_67 : i32 to index
      %get3A_69 = tpu.vector_load %arg11[%get3A_68] {strides = array<i32>} : memref<10240xf32, #tpu.memory_space<vmem>>, vector<16xf32>,
      %get3A_70 = arith.index_cast %mul3A_67 : i32 to index
      %get3A_71 = tpu.vector_load %arg12[%get3A_70] {strides = array<i32>} : memref<10240xf32, #tpu.memory_space<vmem>>, vector<16xf32>,
      %get3A_72 = arith.index_cast %mul3A_67 : i32 to index
      %get3A_73 = tpu.vector_load %arg13[%get3A_72] {strides = array<i32>} : memref<10240xf32, #tpu.memory_space<vmem>>, vector<16xf32>,
      %mul3A_74 = arith.mulf %get3A_69, %get3A_69 : vector<16xf32>
      %mul3A_75 = arith.mulf %get3A_71, %get3A_71 : vector<16xf32>
      %add3A_76 = arith.addf %mul3A_74, %mul3A_75 : vector<16xf32>
      %mul3A_77 = arith.mulf %get3A_73, %get3A_73 : vector<16xf32>
      %add3A_78 = arith.addf %add3A_76, %mul3A_77 : vector<16xf32>
      %swap3A_79 = arith.index_cast %mul3A_67 : i32 to index
      %swap3A_80 = tpu.vector_load %arg14[%swap3A_79] {strides = array<i32>} : memref<10240xf32, #tpu.memory_space<vmem>>, vector<16xf32>,
      tpu.vector_store %arg14[%swap3A_79], %add3A_78 {strides = array<i32>} : memref<10240xf32, #tpu.memory_space<vmem>>, vector<16xf32>,
      %mul3A_81 = arith.constant 4 : i32
      %mul3A_82 = arith.muli %scan3A_25, %mul3A_81 : i32
      %add3A_83 = arith.constant 3 : i32
      %add3A_84 = arith.addi %mul3A_82, %add3A_83 : i32
      %mul3A_85 = arith.constant 16 : i32
      %mul3A_86 = arith.muli %add3A_84, %mul3A_85 : i32
      %get3A_87 = arith.index_cast %mul3A_86 : i32 to index
      %get3A_88 = tpu.vector_load %arg11[%get3A_87] {strides = array<i32>} : memref<10240xf32, #tpu.memory_space<vmem>>, vector<16xf32>,
      %get3A_89 = arith.index_cast %mul3A_86 : i32 to index
      %get3A_90 = tpu.vector_load %arg12[%get3A_89] {strides = array<i32>} : memref<10240xf32, #tpu.memory_space<vmem>>, vector<16xf32>,
      %get3A_91 = arith.index_cast %mul3A_86 : i32 to index
      %get3A_92 = tpu.vector_load %arg13[%get3A_91] {strides = array<i32>} : memref<10240xf32, #tpu.memory_space<vmem>>, vector<16xf32>,
      %mul3A_93 = arith.mulf %get3A_88, %get3A_88 : vector<16xf32>
      %mul3A_94 = arith.mulf %get3A_90, %get3A_90 : vector<16xf32>
      %add3A_95 = arith.addf %mul3A_93, %mul3A_94 : vector<16xf32>
      %mul3A_96 = arith.mulf %get3A_92, %get3A_92 : vector<16xf32>
      %add3A_97 = arith.addf %add3A_95, %mul3A_96 : vector<16xf32>
      %swap3A_98 = arith.index_cast %mul3A_86 : i32 to index
      %swap3A_99 = tpu.vector_load %arg14[%swap3A_98] {strides = array<i32>} : memref<10240xf32, #tpu.memory_space<vmem>>, vector<16xf32>,
      tpu.vector_store %arg14[%swap3A_98], %add3A_97 {strides = array<i32>} : memref<10240xf32, #tpu.memory_space<vmem>>, vector<16xf32>,
    }
    %scan3A_10 = arith.constant 160 : i32
    "tpu.region"() ({
      %run_scoped3A = tpu.sem_alloc : memref<!tpu.dma_semaphore, #tpu.memory_space<semaphore_mem>>
      tpu.enqueue_dma source(%arg5 : memref<10240xf32, #tpu.memory_space<hbm>>) target(%arg11 : memref<10240xf32, #tpu.memory_space<vmem>>) target_semaphore(%run_scoped3A : memref<!tpu.dma_semaphore, #tpu.memory_space<semaphore_mem>>)
      tpu.wait_dma2 semaphore(%run_scoped3A : memref<!tpu.dma_semaphore, #tpu.memory_space<semaphore_mem>>) src(%arg5 : memref<10240xf32, #tpu.memory_space<hbm>>) dst(%arg11 : memref<10240xf32, #tpu.memory_space<vmem>>)
      tpu.yield
    }) : () -> ()
    "tpu.region"() ({
      %run_scoped3A = tpu.sem_alloc : memref<!tpu.dma_semaphore, #tpu.memory_space<semaphore_mem>>
      tpu.enqueue_dma source(%arg6 : memref<10240xf32, #tpu.memory_space<hbm>>) target(%arg12 : memref<10240xf32, #tpu.memory_space<vmem>>) target_semaphore(%run_scoped3A : memref<!tpu.dma_semaphore, #tpu.memory_space<semaphore_mem>>)
      tpu.wait_dma2 semaphore(%run_scoped3A : memref<!tpu.dma_semaphore, #tpu.memory_space<semaphore_mem>>) src(%arg6 : memref<10240xf32, #tpu.memory_space<hbm>>) dst(%arg12 : memref<10240xf32, #tpu.memory_space<vmem>>)
      tpu.yield
    }) : () -> ()
    "tpu.region"() ({
      %run_scoped3A = tpu.sem_alloc : memref<!tpu.dma_semaphore, #tpu.memory_space<semaphore_mem>>
      tpu.enqueue_dma source(%arg7 : memref<10240xf32, #tpu.memory_space<hbm>>) target(%arg13 : memref<10240xf32, #tpu.memory_space<vmem>>) target_semaphore(%run_scoped3A : memref<!tpu.dma_semaphore, #tpu.memory_space<semaphore_mem>>)
      tpu.wait_dma2 semaphore(%run_scoped3A : memref<!tpu.dma_semaphore, #tpu.memory_space<semaphore_mem>>) src(%arg7 : memref<10240xf32, #tpu.memory_space<hbm>>) dst(%arg13 : memref<10240xf32, #tpu.memory_space<vmem>>)
      tpu.yield
    }) : () -> ()
    %scan3A_11 = arith.constant 0 : i32
    %scan3A_12 = arith.constant 0 : i32
    %scan3A_13 = arith.constant 320 : i32
    %scan3A_14 = arith.addi %scan3A_12, %scan3A_13 : i32
    %scan3A_15 = arith.constant 1 : i32
    scf.for %scan3A_25 = %scan3A_12 to %scan3A_14 step %scan3A_15  : i32 {
      %add3A_26 = arith.addi %mul3A_2, %scan3A_25 : i32
      %broadcast_in_dim3A_27 = vector.broadcast %add3A_26 : i32 to vector<16xi32>
      %gather3A = tpu.vector_load_idx %arg11[%broadcast_in_dim3A_27] : memref<10240xf32, #tpu.memory_space<vmem>>[vector<16xi32>], vector<16xf32>,
      %gather3A_28 = tpu.vector_load_idx %arg12[%broadcast_in_dim3A_27] : memref<10240xf32, #tpu.memory_space<vmem>>[vector<16xi32>], vector<16xf32>,
      %gather3A_29 = tpu.vector_load_idx %arg13[%broadcast_in_dim3A_27] : memref<10240xf32, #tpu.memory_space<vmem>>[vector<16xi32>], vector<16xf32>,
      %gather3A_30 = tpu.vector_load_idx %arg14[%broadcast_in_dim3A_27] : memref<10240xf32, #tpu.memory_space<vmem>>[vector<16xi32>], vector<16xf32>,
      %scan3A_31 = arith.constant 0 : i32
      %scan3A_32 = arith.constant 0 : i32
      %scan3A_33 = arith.constant 80 : i32
      %scan3A_34 = arith.addi %scan3A_32, %scan3A_33 : i32
      %scan3A_35 = arith.constant 1 : i32
      %scan3A_36 = scf.for %scan3A_111 = %scan3A_32 to %scan3A_34 step %scan3A_35 iter_args(%scan3A_112 = %scan3A_31) -> (i32)  : i32 {
        %mul3A_113 = arith.constant 8 : i32
        %mul3A_114 = arith.muli %scan3A_111, %mul3A_113 : i32
        %add3A_115 = arith.constant 0 : i32
        %add3A_116 = arith.addi %mul3A_114, %add3A_115 : i32
        %mul3A_117 = arith.constant 16 : i32
        %mul3A_118 = arith.muli %add3A_116, %mul3A_117 : i32
        %get3A = arith.index_cast %mul3A_118 : i32 to index
        %get3A_119 = tpu.vector_load %arg11[%get3A] {strides = array<i32>} : memref<10240xf32, #tpu.memory_space<vmem>>, vector<16xf32>,
        %mul3A_120 = arith.mulf %gather3A, %get3A_119 : vector<16xf32>
        %get3A_121 = arith.index_cast %mul3A_118 : i32 to index
        %get3A_122 = tpu.vector_load %arg12[%get3A_121] {strides = array<i32>} : memref<10240xf32, #tpu.memory_space<vmem>>, vector<16xf32>,
        %mul3A_123 = arith.mulf %gather3A_28, %get3A_122 : vector<16xf32>
        %add3A_124 = arith.addf %mul3A_120, %mul3A_123 : vector<16xf32>
        %get3A_125 = arith.index_cast %mul3A_118 : i32 to index
        %get3A_126 = tpu.vector_load %arg13[%get3A_125] {strides = array<i32>} : memref<10240xf32, #tpu.memory_space<vmem>>, vector<16xf32>,
        %mul3A_127 = arith.mulf %gather3A_29, %get3A_126 : vector<16xf32>
        %add3A_128 = arith.addf %add3A_124, %mul3A_127 : vector<16xf32>
        %get3A_129 = arith.index_cast %mul3A_118 : i32 to index
        %get3A_130 = tpu.vector_load %arg14[%get3A_129] {strides = array<i32>} : memref<10240xf32, #tpu.memory_space<vmem>>, vector<16xf32>,
        %add3A_131 = arith.addf %gather3A_30, %get3A_130 : vector<16xf32>
        %mul3A_132 = arith.constant 2.000000e+00 : f32
        %mul3A_133 = vector.broadcast %mul3A_132 : f32 to vector<16xf32>
        %mul3A_134 = arith.mulf %mul3A_133, %add3A_128 : vector<16xf32>
        %sub3A_135 = arith.subf %add3A_131, %mul3A_134 : vector<16xf32>
        %le3A_136 = arith.constant 1.440000e-02 : f32
        %le3A_137 = vector.broadcast %le3A_136 : f32 to vector<16xf32>
        %le3A_138 = arith.cmpf ole, %sub3A_135, %le3A_137 : vector<16xf32>
        %swap3A_139 = arith.index_cast %scan3A_112 : i32 to index
        %swap3A_140 = tpu.vector_load %arg15[%swap3A_139] masked %le3A_138 {strides = array<i32>} : memref<10272xf32, #tpu.memory_space<vmem>>, vector<16xf32>, vector<16xi1>
        tpu.vector_store %arg15[%swap3A_139], %sub3A_135 masked %le3A_138 {strides = array<i32>} : memref<10272xf32, #tpu.memory_space<vmem>>, vector<16xf32>, vector<16xi1>
        %add3A_141 = vector.broadcast %mul3A_118 : i32 to vector<16xi32>
        %add3A_142 = arith.addi %add3A_141, %iota3A : vector<16xi32>
        %swap3A_143 = arith.index_cast %scan3A_112 : i32 to index
        %swap3A_144 = tpu.vector_load %arg16[%swap3A_143] masked %le3A_138 {strides = array<i32>} : memref<10272xi32, #tpu.memory_space<vmem>>, vector<16xi32>, vector<16xi1>
        tpu.vector_store %arg16[%swap3A_143], %add3A_142 masked %le3A_138 {strides = array<i32>} : memref<10272xi32, #tpu.memory_space<vmem>>, vector<16xi32>, vector<16xi1>
        %convert_element_type3A_145 = arith.extui %le3A_138 : vector<16xi1> to vector<16xi32>
        %reduce_sum3A = arith.constant true
        %reduce_sum3A_146 = vector.broadcast %reduce_sum3A : i1 to vector<16xi1>
        %reduce_sum3A_147 = tpu.scan <sum>, %convert_element_type3A_145 masked %reduce_sum3A_146 : vector<16xi32>, vector<16xi1> -> vector<16xi32>
        %reduce_sum3A_148 = vector.extract %reduce_sum3A_147[15] : i32 from vector<16xi32>
        %add3A_149 = arith.addi %scan3A_112, %reduce_sum3A_148 : i32
        %mul3A_150 = arith.constant 8 : i32
        %mul3A_151 = arith.muli %scan3A_111, %mul3A_150 : i32
        %add3A_152 = arith.constant 1 : i32
        %add3A_153 = arith.addi %mul3A_151, %add3A_152 : i32
        %mul3A_154 = arith.constant 16 : i32
        %mul3A_155 = arith.muli %add3A_153, %mul3A_154 : i32
        %get3A_156 = arith.index_cast %mul3A_155 : i32 to index
        %get3A_157 = tpu.vector_load %arg11[%get3A_156] {strides = array<i32>} : memref<10240xf32, #tpu.memory_space<vmem>>, vector<16xf32>,
        %mul3A_158 = arith.mulf %gather3A, %get3A_157 : vector<16xf32>
        %get3A_159 = arith.index_cast %mul3A_155 : i32 to index
        %get3A_160 = tpu.vector_load %arg12[%get3A_159] {strides = array<i32>} : memref<10240xf32, #tpu.memory_space<vmem>>, vector<16xf32>,
        %mul3A_161 = arith.mulf %gather3A_28, %get3A_160 : vector<16xf32>
        %add3A_162 = arith.addf %mul3A_158, %mul3A_161 : vector<16xf32>
        %get3A_163 = arith.index_cast %mul3A_155 : i32 to index
        %get3A_164 = tpu.vector_load %arg13[%get3A_163] {strides = array<i32>} : memref<10240xf32, #tpu.memory_space<vmem>>, vector<16xf32>,
        %mul3A_165 = arith.mulf %gather3A_29, %get3A_164 : vector<16xf32>
        %add3A_166 = arith.addf %add3A_162, %mul3A_165 : vector<16xf32>
        %get3A_167 = arith.index_cast %mul3A_155 : i32 to index
        %get3A_168 = tpu.vector_load %arg14[%get3A_167] {strides = array<i32>} : memref<10240xf32, #tpu.memory_space<vmem>>, vector<16xf32>,
        %add3A_169 = arith.addf %gather3A_30, %get3A_168 : vector<16xf32>
        %mul3A_170 = arith.constant 2.000000e+00 : f32
        %mul3A_171 = vector.broadcast %mul3A_170 : f32 to vector<16xf32>
        %mul3A_172 = arith.mulf %mul3A_171, %add3A_166 : vector<16xf32>
        %sub3A_173 = arith.subf %add3A_169, %mul3A_172 : vector<16xf32>
        %le3A_174 = arith.constant 1.440000e-02 : f32
        %le3A_175 = vector.broadcast %le3A_174 : f32 to vector<16xf32>
        %le3A_176 = arith.cmpf ole, %sub3A_173, %le3A_175 : vector<16xf32>
        %swap3A_177 = arith.index_cast %add3A_149 : i32 to index
        %swap3A_178 = tpu.vector_load %arg15[%swap3A_177] masked %le3A_176 {strides = array<i32>} : memref<10272xf32, #tpu.memory_space<vmem>>, vector<16xf32>, vector<16xi1>
        tpu.vector_store %arg15[%swap3A_177], %sub3A_173 masked %le3A_176 {strides = array<i32>} : memref<10272xf32, #tpu.memory_space<vmem>>, vector<16xf32>, vector<16xi1>
        %add3A_179 = vector.broadcast %mul3A_155 : i32 to vector<16xi32>
        %add3A_180 = arith.addi %add3A_179, %iota3A : vector<16xi32>
        %swap3A_181 = arith.index_cast %add3A_149 : i32 to index
        %swap3A_182 = tpu.vector_load %arg16[%swap3A_181] masked %le3A_176 {strides = array<i32>} : memref<10272xi32, #tpu.memory_space<vmem>>, vector<16xi32>, vector<16xi1>
        tpu.vector_store %arg16[%swap3A_181], %add3A_180 masked %le3A_176 {strides = array<i32>} : memref<10272xi32, #tpu.memory_space<vmem>>, vector<16xi32>, vector<16xi1>
        %convert_element_type3A_183 = arith.extui %le3A_176 : vector<16xi1> to vector<16xi32>
        %reduce_sum3A_184 = arith.constant true
        %reduce_sum3A_185 = vector.broadcast %reduce_sum3A_184 : i1 to vector<16xi1>
        %reduce_sum3A_186 = tpu.scan <sum>, %convert_element_type3A_183 masked %reduce_sum3A_185 : vector<16xi32>, vector<16xi1> -> vector<16xi32>
        %reduce_sum3A_187 = vector.extract %reduce_sum3A_186[15] : i32 from vector<16xi32>
        %add3A_188 = arith.addi %add3A_149, %reduce_sum3A_187 : i32
        %mul3A_189 = arith.constant 8 : i32
        %mul3A_190 = arith.muli %scan3A_111, %mul3A_189 : i32
        %add3A_191 = arith.constant 2 : i32
        %add3A_192 = arith.addi %mul3A_190, %add3A_191 : i32
        %mul3A_193 = arith.constant 16 : i32
        %mul3A_194 = arith.muli %add3A_192, %mul3A_193 : i32
        %get3A_195 = arith.index_cast %mul3A_194 : i32 to index
        %get3A_196 = tpu.vector_load %arg11[%get3A_195] {strides = array<i32>} : memref<10240xf32, #tpu.memory_space<vmem>>, vector<16xf32>,
        %mul3A_197 = arith.mulf %gather3A, %get3A_196 : vector<16xf32>
        %get3A_198 = arith.index_cast %mul3A_194 : i32 to index
        %get3A_199 = tpu.vector_load %arg12[%get3A_198] {strides = array<i32>} : memref<10240xf32, #tpu.memory_space<vmem>>, vector<16xf32>,
        %mul3A_200 = arith.mulf %gather3A_28, %get3A_199 : vector<16xf32>
        %add3A_201 = arith.addf %mul3A_197, %mul3A_200 : vector<16xf32>
        %get3A_202 = arith.index_cast %mul3A_194 : i32 to index
        %get3A_203 = tpu.vector_load %arg13[%get3A_202] {strides = array<i32>} : memref<10240xf32, #tpu.memory_space<vmem>>, vector<16xf32>,
        %mul3A_204 = arith.mulf %gather3A_29, %get3A_203 : vector<16xf32>
        %add3A_205 = arith.addf %add3A_201, %mul3A_204 : vector<16xf32>
        %get3A_206 = arith.index_cast %mul3A_194 : i32 to index
        %get3A_207 = tpu.vector_load %arg14[%get3A_206] {strides = array<i32>} : memref<10240xf32, #tpu.memory_space<vmem>>, vector<16xf32>,
        %add3A_208 = arith.addf %gather3A_30, %get3A_207 : vector<16xf32>
        %mul3A_209 = arith.constant 2.000000e+00 : f32
        %mul3A_210 = vector.broadcast %mul3A_209 : f32 to vector<16xf32>
        %mul3A_211 = arith.mulf %mul3A_210, %add3A_205 : vector<16xf32>
        %sub3A_212 = arith.subf %add3A_208, %mul3A_211 : vector<16xf32>
        %le3A_213 = arith.constant 1.440000e-02 : f32
        %le3A_214 = vector.broadcast %le3A_213 : f32 to vector<16xf32>
        %le3A_215 = arith.cmpf ole, %sub3A_212, %le3A_214 : vector<16xf32>
        %swap3A_216 = arith.index_cast %add3A_188 : i32 to index
        %swap3A_217 = tpu.vector_load %arg15[%swap3A_216] masked %le3A_215 {strides = array<i32>} : memref<10272xf32, #tpu.memory_space<vmem>>, vector<16xf32>, vector<16xi1>
        tpu.vector_store %arg15[%swap3A_216], %sub3A_212 masked %le3A_215 {strides = array<i32>} : memref<10272xf32, #tpu.memory_space<vmem>>, vector<16xf32>, vector<16xi1>
        %add3A_218 = vector.broadcast %mul3A_194 : i32 to vector<16xi32>
        %add3A_219 = arith.addi %add3A_218, %iota3A : vector<16xi32>
        %swap3A_220 = arith.index_cast %add3A_188 : i32 to index
        %swap3A_221 = tpu.vector_load %arg16[%swap3A_220] masked %le3A_215 {strides = array<i32>} : memref<10272xi32, #tpu.memory_space<vmem>>, vector<16xi32>, vector<16xi1>
        tpu.vector_store %arg16[%swap3A_220], %add3A_219 masked %le3A_215 {strides = array<i32>} : memref<10272xi32, #tpu.memory_space<vmem>>, vector<16xi32>, vector<16xi1>
        %convert_element_type3A_222 = arith.extui %le3A_215 : vector<16xi1> to vector<16xi32>
        %reduce_sum3A_223 = arith.constant true
        %reduce_sum3A_224 = vector.broadcast %reduce_sum3A_223 : i1 to vector<16xi1>
        %reduce_sum3A_225 = tpu.scan <sum>, %convert_element_type3A_222 masked %reduce_sum3A_224 : vector<16xi32>, vector<16xi1> -> vector<16xi32>
        %reduce_sum3A_226 = vector.extract %reduce_sum3A_225[15] : i32 from vector<16xi32>
        %add3A_227 = arith.addi %add3A_188, %reduce_sum3A_226 : i32
        %mul3A_228 = arith.constant 8 : i32
        %mul3A_229 = arith.muli %scan3A_111, %mul3A_228 : i32
        %add3A_230 = arith.constant 3 : i32
        %add3A_231 = arith.addi %mul3A_229, %add3A_230 : i32
        %mul3A_232 = arith.constant 16 : i32
        %mul3A_233 = arith.muli %add3A_231, %mul3A_232 : i32
        %get3A_234 = arith.index_cast %mul3A_233 : i32 to index
        %get3A_235 = tpu.vector_load %arg11[%get3A_234] {strides = array<i32>} : memref<10240xf32, #tpu.memory_space<vmem>>, vector<16xf32>,
        %mul3A_236 = arith.mulf %gather3A, %get3A_235 : vector<16xf32>
        %get3A_237 = arith.index_cast %mul3A_233 : i32 to index
        %get3A_238 = tpu.vector_load %arg12[%get3A_237] {strides = array<i32>} : memref<10240xf32, #tpu.memory_space<vmem>>, vector<16xf32>,
        %mul3A_239 = arith.mulf %gather3A_28, %get3A_238 : vector<16xf32>
        %add3A_240 = arith.addf %mul3A_236, %mul3A_239 : vector<16xf32>
        %get3A_241 = arith.index_cast %mul3A_233 : i32 to index
        %get3A_242 = tpu.vector_load %arg13[%get3A_241] {strides = array<i32>} : memref<10240xf32, #tpu.memory_space<vmem>>, vector<16xf32>,
        %mul3A_243 = arith.mulf %gather3A_29, %get3A_242 : vector<16xf32>
        %add3A_244 = arith.addf %add3A_240, %mul3A_243 : vector<16xf32>
        %get3A_245 = arith.index_cast %mul3A_233 : i32 to index
        %get3A_246 = tpu.vector_load %arg14[%get3A_245] {strides = array<i32>} : memref<10240xf32, #tpu.memory_space<vmem>>, vector<16xf32>,
        %add3A_247 = arith.addf %gather3A_30, %get3A_246 : vector<16xf32>
        %mul3A_248 = arith.constant 2.000000e+00 : f32
        %mul3A_249 = vector.broadcast %mul3A_248 : f32 to vector<16xf32>
        %mul3A_250 = arith.mulf %mul3A_249, %add3A_244 : vector<16xf32>
        %sub3A_251 = arith.subf %add3A_247, %mul3A_250 : vector<16xf32>
        %le3A_252 = arith.constant 1.440000e-02 : f32
        %le3A_253 = vector.broadcast %le3A_252 : f32 to vector<16xf32>
        %le3A_254 = arith.cmpf ole, %sub3A_251, %le3A_253 : vector<16xf32>
        %swap3A_255 = arith.index_cast %add3A_227 : i32 to index
        %swap3A_256 = tpu.vector_load %arg15[%swap3A_255] masked %le3A_254 {strides = array<i32>} : memref<10272xf32, #tpu.memory_space<vmem>>, vector<16xf32>, vector<16xi1>
        tpu.vector_store %arg15[%swap3A_255], %sub3A_251 masked %le3A_254 {strides = array<i32>} : memref<10272xf32, #tpu.memory_space<vmem>>, vector<16xf32>, vector<16xi1>
        %add3A_257 = vector.broadcast %mul3A_233 : i32 to vector<16xi32>
        %add3A_258 = arith.addi %add3A_257, %iota3A : vector<16xi32>
        %swap3A_259 = arith.index_cast %add3A_227 : i32 to index
        %swap3A_260 = tpu.vector_load %arg16[%swap3A_259] masked %le3A_254 {strides = array<i32>} : memref<10272xi32, #tpu.memory_space<vmem>>, vector<16xi32>, vector<16xi1>
        tpu.vector_store %arg16[%swap3A_259], %add3A_258 masked %le3A_254 {strides = array<i32>} : memref<10272xi32, #tpu.memory_space<vmem>>, vector<16xi32>, vector<16xi1>
        %convert_element_type3A_261 = arith.extui %le3A_254 : vector<16xi1> to vector<16xi32>
        %reduce_sum3A_262 = arith.constant true
        %reduce_sum3A_263 = vector.broadcast %reduce_sum3A_262 : i1 to vector<16xi1>
        %reduce_sum3A_264 = tpu.scan <sum>, %convert_element_type3A_261 masked %reduce_sum3A_263 : vector<16xi32>, vector<16xi1> -> vector<16xi32>
        %reduce_sum3A_265 = vector.extract %reduce_sum3A_264[15] : i32 from vector<16xi32>
        %add3A_266 = arith.addi %add3A_227, %reduce_sum3A_265 : i32
        %mul3A_267 = arith.constant 8 : i32
        %mul3A_268 = arith.muli %scan3A_111, %mul3A_267 : i32
        %add3A_269 = arith.constant 4 : i32
        %add3A_270 = arith.addi %mul3A_268, %add3A_269 : i32
        %mul3A_271 = arith.constant 16 : i32
        %mul3A_272 = arith.muli %add3A_270, %mul3A_271 : i32
        %get3A_273 = arith.index_cast %mul3A_272 : i32 to index
        %get3A_274 = tpu.vector_load %arg11[%get3A_273] {strides = array<i32>} : memref<10240xf32, #tpu.memory_space<vmem>>, vector<16xf32>,
        %mul3A_275 = arith.mulf %gather3A, %get3A_274 : vector<16xf32>
        %get3A_276 = arith.index_cast %mul3A_272 : i32 to index
        %get3A_277 = tpu.vector_load %arg12[%get3A_276] {strides = array<i32>} : memref<10240xf32, #tpu.memory_space<vmem>>, vector<16xf32>,
        %mul3A_278 = arith.mulf %gather3A_28, %get3A_277 : vector<16xf32>
        %add3A_279 = arith.addf %mul3A_275, %mul3A_278 : vector<16xf32>
        %get3A_280 = arith.index_cast %mul3A_272 : i32 to index
        %get3A_281 = tpu.vector_load %arg13[%get3A_280] {strides = array<i32>} : memref<10240xf32, #tpu.memory_space<vmem>>, vector<16xf32>,
        %mul3A_282 = arith.mulf %gather3A_29, %get3A_281 : vector<16xf32>
        %add3A_283 = arith.addf %add3A_279, %mul3A_282 : vector<16xf32>
        %get3A_284 = arith.index_cast %mul3A_272 : i32 to index
        %get3A_285 = tpu.vector_load %arg14[%get3A_284] {strides = array<i32>} : memref<10240xf32, #tpu.memory_space<vmem>>, vector<16xf32>,
        %add3A_286 = arith.addf %gather3A_30, %get3A_285 : vector<16xf32>
        %mul3A_287 = arith.constant 2.000000e+00 : f32
        %mul3A_288 = vector.broadcast %mul3A_287 : f32 to vector<16xf32>
        %mul3A_289 = arith.mulf %mul3A_288, %add3A_283 : vector<16xf32>
        %sub3A_290 = arith.subf %add3A_286, %mul3A_289 : vector<16xf32>
        %le3A_291 = arith.constant 1.440000e-02 : f32
        %le3A_292 = vector.broadcast %le3A_291 : f32 to vector<16xf32>
        %le3A_293 = arith.cmpf ole, %sub3A_290, %le3A_292 : vector<16xf32>
        %swap3A_294 = arith.index_cast %add3A_266 : i32 to index
        %swap3A_295 = tpu.vector_load %arg15[%swap3A_294] masked %le3A_293 {strides = array<i32>} : memref<10272xf32, #tpu.memory_space<vmem>>, vector<16xf32>, vector<16xi1>
        tpu.vector_store %arg15[%swap3A_294], %sub3A_290 masked %le3A_293 {strides = array<i32>} : memref<10272xf32, #tpu.memory_space<vmem>>, vector<16xf32>, vector<16xi1>
        %add3A_296 = vector.broadcast %mul3A_272 : i32 to vector<16xi32>
        %add3A_297 = arith.addi %add3A_296, %iota3A : vector<16xi32>
        %swap3A_298 = arith.index_cast %add3A_266 : i32 to index
        %swap3A_299 = tpu.vector_load %arg16[%swap3A_298] masked %le3A_293 {strides = array<i32>} : memref<10272xi32, #tpu.memory_space<vmem>>, vector<16xi32>, vector<16xi1>
        tpu.vector_store %arg16[%swap3A_298], %add3A_297 masked %le3A_293 {strides = array<i32>} : memref<10272xi32, #tpu.memory_space<vmem>>, vector<16xi32>, vector<16xi1>
        %convert_element_type3A_300 = arith.extui %le3A_293 : vector<16xi1> to vector<16xi32>
        %reduce_sum3A_301 = arith.constant true
        %reduce_sum3A_302 = vector.broadcast %reduce_sum3A_301 : i1 to vector<16xi1>
        %reduce_sum3A_303 = tpu.scan <sum>, %convert_element_type3A_300 masked %reduce_sum3A_302 : vector<16xi32>, vector<16xi1> -> vector<16xi32>
        %reduce_sum3A_304 = vector.extract %reduce_sum3A_303[15] : i32 from vector<16xi32>
        %add3A_305 = arith.addi %add3A_266, %reduce_sum3A_304 : i32
        %mul3A_306 = arith.constant 8 : i32
        %mul3A_307 = arith.muli %scan3A_111, %mul3A_306 : i32
        %add3A_308 = arith.constant 5 : i32
        %add3A_309 = arith.addi %mul3A_307, %add3A_308 : i32
        %mul3A_310 = arith.constant 16 : i32
        %mul3A_311 = arith.muli %add3A_309, %mul3A_310 : i32
        %get3A_312 = arith.index_cast %mul3A_311 : i32 to index
        %get3A_313 = tpu.vector_load %arg11[%get3A_312] {strides = array<i32>} : memref<10240xf32, #tpu.memory_space<vmem>>, vector<16xf32>,
        %mul3A_314 = arith.mulf %gather3A, %get3A_313 : vector<16xf32>
        %get3A_315 = arith.index_cast %mul3A_311 : i32 to index
        %get3A_316 = tpu.vector_load %arg12[%get3A_315] {strides = array<i32>} : memref<10240xf32, #tpu.memory_space<vmem>>, vector<16xf32>,
        %mul3A_317 = arith.mulf %gather3A_28, %get3A_316 : vector<16xf32>
        %add3A_318 = arith.addf %mul3A_314, %mul3A_317 : vector<16xf32>
        %get3A_319 = arith.index_cast %mul3A_311 : i32 to index
        %get3A_320 = tpu.vector_load %arg13[%get3A_319] {strides = array<i32>} : memref<10240xf32, #tpu.memory_space<vmem>>, vector<16xf32>,
        %mul3A_321 = arith.mulf %gather3A_29, %get3A_320 : vector<16xf32>
        %add3A_322 = arith.addf %add3A_318, %mul3A_321 : vector<16xf32>
        %get3A_323 = arith.index_cast %mul3A_311 : i32 to index
        %get3A_324 = tpu.vector_load %arg14[%get3A_323] {strides = array<i32>} : memref<10240xf32, #tpu.memory_space<vmem>>, vector<16xf32>,
        %add3A_325 = arith.addf %gather3A_30, %get3A_324 : vector<16xf32>
        %mul3A_326 = arith.constant 2.000000e+00 : f32
        %mul3A_327 = vector.broadcast %mul3A_326 : f32 to vector<16xf32>
        %mul3A_328 = arith.mulf %mul3A_327, %add3A_322 : vector<16xf32>
        %sub3A_329 = arith.subf %add3A_325, %mul3A_328 : vector<16xf32>
        %le3A_330 = arith.constant 1.440000e-02 : f32
        %le3A_331 = vector.broadcast %le3A_330 : f32 to vector<16xf32>
        %le3A_332 = arith.cmpf ole, %sub3A_329, %le3A_331 : vector<16xf32>
        %swap3A_333 = arith.index_cast %add3A_305 : i32 to index
        %swap3A_334 = tpu.vector_load %arg15[%swap3A_333] masked %le3A_332 {strides = array<i32>} : memref<10272xf32, #tpu.memory_space<vmem>>, vector<16xf32>, vector<16xi1>
        tpu.vector_store %arg15[%swap3A_333], %sub3A_329 masked %le3A_332 {strides = array<i32>} : memref<10272xf32, #tpu.memory_space<vmem>>, vector<16xf32>, vector<16xi1>
        %add3A_335 = vector.broadcast %mul3A_311 : i32 to vector<16xi32>
        %add3A_336 = arith.addi %add3A_335, %iota3A : vector<16xi32>
        %swap3A_337 = arith.index_cast %add3A_305 : i32 to index
        %swap3A_338 = tpu.vector_load %arg16[%swap3A_337] masked %le3A_332 {strides = array<i32>} : memref<10272xi32, #tpu.memory_space<vmem>>, vector<16xi32>, vector<16xi1>
        tpu.vector_store %arg16[%swap3A_337], %add3A_336 masked %le3A_332 {strides = array<i32>} : memref<10272xi32, #tpu.memory_space<vmem>>, vector<16xi32>, vector<16xi1>
        %convert_element_type3A_339 = arith.extui %le3A_332 : vector<16xi1> to vector<16xi32>
        %reduce_sum3A_340 = arith.constant true
        %reduce_sum3A_341 = vector.broadcast %reduce_sum3A_340 : i1 to vector<16xi1>
        %reduce_sum3A_342 = tpu.scan <sum>, %convert_element_type3A_339 masked %reduce_sum3A_341 : vector<16xi32>, vector<16xi1> -> vector<16xi32>
        %reduce_sum3A_343 = vector.extract %reduce_sum3A_342[15] : i32 from vector<16xi32>
        %add3A_344 = arith.addi %add3A_305, %reduce_sum3A_343 : i32
        %mul3A_345 = arith.constant 8 : i32
        %mul3A_346 = arith.muli %scan3A_111, %mul3A_345 : i32
        %add3A_347 = arith.constant 6 : i32
        %add3A_348 = arith.addi %mul3A_346, %add3A_347 : i32
        %mul3A_349 = arith.constant 16 : i32
        %mul3A_350 = arith.muli %add3A_348, %mul3A_349 : i32
        %get3A_351 = arith.index_cast %mul3A_350 : i32 to index
        %get3A_352 = tpu.vector_load %arg11[%get3A_351] {strides = array<i32>} : memref<10240xf32, #tpu.memory_space<vmem>>, vector<16xf32>,
        %mul3A_353 = arith.mulf %gather3A, %get3A_352 : vector<16xf32>
        %get3A_354 = arith.index_cast %mul3A_350 : i32 to index
        %get3A_355 = tpu.vector_load %arg12[%get3A_354] {strides = array<i32>} : memref<10240xf32, #tpu.memory_space<vmem>>, vector<16xf32>,
        %mul3A_356 = arith.mulf %gather3A_28, %get3A_355 : vector<16xf32>
        %add3A_357 = arith.addf %mul3A_353, %mul3A_356 : vector<16xf32>
        %get3A_358 = arith.index_cast %mul3A_350 : i32 to index
        %get3A_359 = tpu.vector_load %arg13[%get3A_358] {strides = array<i32>} : memref<10240xf32, #tpu.memory_space<vmem>>, vector<16xf32>,
        %mul3A_360 = arith.mulf %gather3A_29, %get3A_359 : vector<16xf32>
        %add3A_361 = arith.addf %add3A_357, %mul3A_360 : vector<16xf32>
        %get3A_362 = arith.index_cast %mul3A_350 : i32 to index
        %get3A_363 = tpu.vector_load %arg14[%get3A_362] {strides = array<i32>} : memref<10240xf32, #tpu.memory_space<vmem>>, vector<16xf32>,
        %add3A_364 = arith.addf %gather3A_30, %get3A_363 : vector<16xf32>
        %mul3A_365 = arith.constant 2.000000e+00 : f32
        %mul3A_366 = vector.broadcast %mul3A_365 : f32 to vector<16xf32>
        %mul3A_367 = arith.mulf %mul3A_366, %add3A_361 : vector<16xf32>
        %sub3A_368 = arith.subf %add3A_364, %mul3A_367 : vector<16xf32>
        %le3A_369 = arith.constant 1.440000e-02 : f32
        %le3A_370 = vector.broadcast %le3A_369 : f32 to vector<16xf32>
        %le3A_371 = arith.cmpf ole, %sub3A_368, %le3A_370 : vector<16xf32>
        %swap3A_372 = arith.index_cast %add3A_344 : i32 to index
        %swap3A_373 = tpu.vector_load %arg15[%swap3A_372] masked %le3A_371 {strides = array<i32>} : memref<10272xf32, #tpu.memory_space<vmem>>, vector<16xf32>, vector<16xi1>
        tpu.vector_store %arg15[%swap3A_372], %sub3A_368 masked %le3A_371 {strides = array<i32>} : memref<10272xf32, #tpu.memory_space<vmem>>, vector<16xf32>, vector<16xi1>
        %add3A_374 = vector.broadcast %mul3A_350 : i32 to vector<16xi32>
        %add3A_375 = arith.addi %add3A_374, %iota3A : vector<16xi32>
        %swap3A_376 = arith.index_cast %add3A_344 : i32 to index
        %swap3A_377 = tpu.vector_load %arg16[%swap3A_376] masked %le3A_371 {strides = array<i32>} : memref<10272xi32, #tpu.memory_space<vmem>>, vector<16xi32>, vector<16xi1>
        tpu.vector_store %arg16[%swap3A_376], %add3A_375 masked %le3A_371 {strides = array<i32>} : memref<10272xi32, #tpu.memory_space<vmem>>, vector<16xi32>, vector<16xi1>
        %convert_element_type3A_378 = arith.extui %le3A_371 : vector<16xi1> to vector<16xi32>
        %reduce_sum3A_379 = arith.constant true
        %reduce_sum3A_380 = vector.broadcast %reduce_sum3A_379 : i1 to vector<16xi1>
        %reduce_sum3A_381 = tpu.scan <sum>, %convert_element_type3A_378 masked %reduce_sum3A_380 : vector<16xi32>, vector<16xi1> -> vector<16xi32>
        %reduce_sum3A_382 = vector.extract %reduce_sum3A_381[15] : i32 from vector<16xi32>
        %add3A_383 = arith.addi %add3A_344, %reduce_sum3A_382 : i32
        %mul3A_384 = arith.constant 8 : i32
        %mul3A_385 = arith.muli %scan3A_111, %mul3A_384 : i32
        %add3A_386 = arith.constant 7 : i32
        %add3A_387 = arith.addi %mul3A_385, %add3A_386 : i32
        %mul3A_388 = arith.constant 16 : i32
        %mul3A_389 = arith.muli %add3A_387, %mul3A_388 : i32
        %get3A_390 = arith.index_cast %mul3A_389 : i32 to index
        %get3A_391 = tpu.vector_load %arg11[%get3A_390] {strides = array<i32>} : memref<10240xf32, #tpu.memory_space<vmem>>, vector<16xf32>,
        %mul3A_392 = arith.mulf %gather3A, %get3A_391 : vector<16xf32>
        %get3A_393 = arith.index_cast %mul3A_389 : i32 to index
        %get3A_394 = tpu.vector_load %arg12[%get3A_393] {strides = array<i32>} : memref<10240xf32, #tpu.memory_space<vmem>>, vector<16xf32>,
        %mul3A_395 = arith.mulf %gather3A_28, %get3A_394 : vector<16xf32>
        %add3A_396 = arith.addf %mul3A_392, %mul3A_395 : vector<16xf32>
        %get3A_397 = arith.index_cast %mul3A_389 : i32 to index
        %get3A_398 = tpu.vector_load %arg13[%get3A_397] {strides = array<i32>} : memref<10240xf32, #tpu.memory_space<vmem>>, vector<16xf32>,
        %mul3A_399 = arith.mulf %gather3A_29, %get3A_398 : vector<16xf32>
        %add3A_400 = arith.addf %add3A_396, %mul3A_399 : vector<16xf32>
        %get3A_401 = arith.index_cast %mul3A_389 : i32 to index
        %get3A_402 = tpu.vector_load %arg14[%get3A_401] {strides = array<i32>} : memref<10240xf32, #tpu.memory_space<vmem>>, vector<16xf32>,
        %add3A_403 = arith.addf %gather3A_30, %get3A_402 : vector<16xf32>
        %mul3A_404 = arith.constant 2.000000e+00 : f32
        %mul3A_405 = vector.broadcast %mul3A_404 : f32 to vector<16xf32>
        %mul3A_406 = arith.mulf %mul3A_405, %add3A_400 : vector<16xf32>
        %sub3A_407 = arith.subf %add3A_403, %mul3A_406 : vector<16xf32>
        %le3A_408 = arith.constant 1.440000e-02 : f32
        %le3A_409 = vector.broadcast %le3A_408 : f32 to vector<16xf32>
        %le3A_410 = arith.cmpf ole, %sub3A_407, %le3A_409 : vector<16xf32>
        %swap3A_411 = arith.index_cast %add3A_383 : i32 to index
        %swap3A_412 = tpu.vector_load %arg15[%swap3A_411] masked %le3A_410 {strides = array<i32>} : memref<10272xf32, #tpu.memory_space<vmem>>, vector<16xf32>, vector<16xi1>
        tpu.vector_store %arg15[%swap3A_411], %sub3A_407 masked %le3A_410 {strides = array<i32>} : memref<10272xf32, #tpu.memory_space<vmem>>, vector<16xf32>, vector<16xi1>
        %add3A_413 = vector.broadcast %mul3A_389 : i32 to vector<16xi32>
        %add3A_414 = arith.addi %add3A_413, %iota3A : vector<16xi32>
        %swap3A_415 = arith.index_cast %add3A_383 : i32 to index
        %swap3A_416 = tpu.vector_load %arg16[%swap3A_415] masked %le3A_410 {strides = array<i32>} : memref<10272xi32, #tpu.memory_space<vmem>>, vector<16xi32>, vector<16xi1>
        tpu.vector_store %arg16[%swap3A_415], %add3A_414 masked %le3A_410 {strides = array<i32>} : memref<10272xi32, #tpu.memory_space<vmem>>, vector<16xi32>, vector<16xi1>
        %convert_element_type3A_417 = arith.extui %le3A_410 : vector<16xi1> to vector<16xi32>
        %reduce_sum3A_418 = arith.constant true
        %reduce_sum3A_419 = vector.broadcast %reduce_sum3A_418 : i1 to vector<16xi1>
        %reduce_sum3A_420 = tpu.scan <sum>, %convert_element_type3A_417 masked %reduce_sum3A_419 : vector<16xi32>, vector<16xi1> -> vector<16xi32>
        %reduce_sum3A_421 = vector.extract %reduce_sum3A_420[15] : i32 from vector<16xi32>
        %add3A_422 = arith.addi %add3A_383, %reduce_sum3A_421 : i32
        scf.yield %add3A_422 : i32
      }
      %scan3A_37 = arith.constant 80 : i32
      %swap3A = arith.index_cast %scan3A_36 : i32 to index
      %swap3A_38 = tpu.vector_load %arg15[%swap3A] {strides = array<i32>} : memref<10272xf32, #tpu.memory_space<vmem>>, vector<16xf32>,
      tpu.vector_store %arg15[%swap3A], %broadcast_in_dim3A_5 {strides = array<i32>} : memref<10272xf32, #tpu.memory_space<vmem>>, vector<16xf32>,
      %min3A = arith.constant 64 : i32
      %min3A_39 = arith.minsi %scan3A_36, %min3A : i32
      %add3A_40 = arith.constant 15 : i32
      %add3A_41 = arith.addi %scan3A_36, %add3A_40 : i32
      %jit3A = arith.constant 16 : i32
      %div3A = arith.divsi %add3A_41, %jit3A : i32
      %sign3A = arith.constant 0 : i32
      %sign3A_42 = arith.cmpi sgt, %add3A_41, %sign3A : i32
      %sign3A_43 = arith.extui %sign3A_42 : i1 to i32
      %sign3A_44 = arith.constant 0 : i32
      %sign3A_45 = arith.cmpi slt, %add3A_41, %sign3A_44 : i32
      %sign3A_46 = arith.extui %sign3A_45 : i1 to i32
      %sign3A_47 = arith.subi %sign3A_43, %sign3A_46 : i32
      %sign3A_48 = arith.constant 0 : i32
      %sign3A_49 = arith.cmpi sgt, %jit3A, %sign3A_48 : i32
      %sign3A_50 = arith.extui %sign3A_49 : i1 to i32
      %sign3A_51 = arith.constant 0 : i32
      %sign3A_52 = arith.cmpi slt, %jit3A, %sign3A_51 : i32
      %sign3A_53 = arith.extui %sign3A_52 : i1 to i32
      %sign3A_54 = arith.subi %sign3A_50, %sign3A_53 : i32
      %ne3A = arith.cmpi ne, %sign3A_47, %sign3A_54 : i32
      %rem3A = arith.remsi %add3A_41, %jit3A : i32
      %ne3A_55 = arith.constant 0 : i32
      %ne3A_56 = arith.cmpi ne, %rem3A, %ne3A_55 : i32
      %and3A = arith.andi %ne3A, %ne3A_56 : i1
      %sub3A = arith.constant 1 : i32
      %sub3A_57 = arith.subi %div3A, %sub3A : i32
      %select_n3A = arith.select %and3A, %sub3A_57, %div3A : i32
      %mul3A_58 = arith.constant 64 : i32
      %mul3A_59 = arith.muli %scan3A_25, %mul3A_58 : i32
      %broadcast_in_dim3A_60 = vector.broadcast %mul3A_59 : i32 to vector<16xi32>
      tpu.vector_store_idx %arg17[%broadcast_in_dim3A_60], %broadcast_in_dim3A_27 masked %eq3A_4 : memref<20480xi32, #tpu.memory_space<vmem>>[vector<16xi32>], vector<16xi32>, vector<16xi1>
      %ge3A = arith.constant 1 : i32
      %ge3A_61 = arith.cmpi sge, %scan3A_36, %ge3A : i32
      %le3A = arith.constant 64 : i32
      %le3A_62 = arith.cmpi sle, %scan3A_36, %le3A : i32
      %and3A_63 = arith.andi %ge3A_61, %le3A_62 : i1
      %convert_element_type3A = arith.extui %and3A_63 : i1 to i32
      %cond3A = arith.constant 0 : i32
      %cond3A_64 = arith.cmpi ne, %convert_element_type3A, %cond3A : i32
      scf.if %cond3A_64 {
        %get3A = arith.constant 0 : index
        %get3A_111 = tpu.vector_load %arg16[%get3A] {strides = array<i32>} : memref<10272xi32, #tpu.memory_space<vmem>>, vector<16xi32>,
        %mul3A_112 = arith.constant 64 : i32
        %mul3A_113 = arith.muli %scan3A_25, %mul3A_112 : i32
        %add3A_114 = arith.constant 0 : i32
        %add3A_115 = arith.addi %mul3A_113, %add3A_114 : i32
        %swap3A_116 = arith.index_cast %add3A_115 : i32 to index
        %swap3A_117 = tpu.vector_load %arg17[%swap3A_116] {strides = array<i32>} : memref<20480xi32, #tpu.memory_space<vmem>>, vector<16xi32>,
        tpu.vector_store %arg17[%swap3A_116], %get3A_111 {strides = array<i32>} : memref<20480xi32, #tpu.memory_space<vmem>>, vector<16xi32>,
        %get3A_118 = arith.constant 16 : index
        %get3A_119 = tpu.vector_load %arg16[%get3A_118] {strides = array<i32>} : memref<10272xi32, #tpu.memory_space<vmem>>, vector<16xi32>,
        %mul3A_120 = arith.constant 64 : i32
        %mul3A_121 = arith.muli %scan3A_25, %mul3A_120 : i32
        %add3A_122 = arith.constant 16 : i32
        %add3A_123 = arith.addi %mul3A_121, %add3A_122 : i32
        %swap3A_124 = arith.index_cast %add3A_123 : i32 to index
        %swap3A_125 = tpu.vector_load %arg17[%swap3A_124] {strides = array<i32>} : memref<20480xi32, #tpu.memory_space<vmem>>, vector<16xi32>,
        tpu.vector_store %arg17[%swap3A_124], %get3A_119 {strides = array<i32>} : memref<20480xi32, #tpu.memory_space<vmem>>, vector<16xi32>,
        %get3A_126 = arith.constant 32 : index
        %get3A_127 = tpu.vector_load %arg16[%get3A_126] {strides = array<i32>} : memref<10272xi32, #tpu.memory_space<vmem>>, vector<16xi32>,
        %mul3A_128 = arith.constant 64 : i32
        %mul3A_129 = arith.muli %scan3A_25, %mul3A_128 : i32
        %add3A_130 = arith.constant 32 : i32
        %add3A_131 = arith.addi %mul3A_129, %add3A_130 : i32
        %swap3A_132 = arith.index_cast %add3A_131 : i32 to index
        %swap3A_133 = tpu.vector_load %arg17[%swap3A_132] {strides = array<i32>} : memref<20480xi32, #tpu.memory_space<vmem>>, vector<16xi32>,
        tpu.vector_store %arg17[%swap3A_132], %get3A_127 {strides = array<i32>} : memref<20480xi32, #tpu.memory_space<vmem>>, vector<16xi32>,
        %get3A_134 = arith.constant 48 : index
        %get3A_135 = tpu.vector_load %arg16[%get3A_134] {strides = array<i32>} : memref<10272xi32, #tpu.memory_space<vmem>>, vector<16xi32>,
        %mul3A_136 = arith.constant 64 : i32
        %mul3A_137 = arith.muli %scan3A_25, %mul3A_136 : i32
        %add3A_138 = arith.constant 48 : i32
        %add3A_139 = arith.addi %mul3A_137, %add3A_138 : i32
        %swap3A_140 = arith.index_cast %add3A_139 : i32 to index
        %swap3A_141 = tpu.vector_load %arg17[%swap3A_140] {strides = array<i32>} : memref<20480xi32, #tpu.memory_space<vmem>>, vector<16xi32>,
        tpu.vector_store %arg17[%swap3A_140], %get3A_135 {strides = array<i32>} : memref<20480xi32, #tpu.memory_space<vmem>>, vector<16xi32>,
      } else {
      }
      %gt3A = arith.constant 64 : i32
      %gt3A_65 = arith.cmpi sgt, %scan3A_36, %gt3A : i32
      %convert_element_type3A_66 = arith.extui %gt3A_65 : i1 to i32
      %cond3A_67 = arith.constant 0 : i32
      %cond3A_68 = arith.cmpi ne, %convert_element_type3A_66, %cond3A_67 : i32
      scf.if %cond3A_68 {
        %while3A = arith.constant 0 : i32
        %while3A_111 = arith.constant 0 : i32
        %while3A_112 = arith.subi %min3A_39, %while3A_111 : i32
        %while3A_113 = arith.addi %while3A_111, %while3A_112 : i32
        %while3A_114 = arith.constant 1 : i32
        %while3A_115 = arith.divsi %while3A_112, %while3A_114 : i32
        %while3A_116 = arith.muli %while3A_115, %while3A_114 : i32
        %while3A_117 = arith.addi %while3A_111, %while3A_116 : i32
        %while3A_118 = arith.constant 1 : i32
        scf.for %while3A_120 = %while3A_111 to %while3A_117 step %while3A_118  : i32 {
          %while3A_121 = arith.constant 0 : i32
          %while3A_122 = arith.subi %select_n3A, %while3A_121 : i32
          %while3A_123 = arith.addi %while3A_121, %while3A_122 : i32
          %while3A_124 = arith.constant 1 : i32
          %while3A_125 = arith.divsi %while3A_122, %while3A_124 : i32
          %while3A_126 = arith.muli %while3A_125, %while3A_124 : i32
          %while3A_127 = arith.addi %while3A_121, %while3A_126 : i32
          %while3A_128 = arith.constant 1 : i32
          %while3A_129 = scf.for %while3A_162 = %while3A_121 to %while3A_127 step %while3A_128 iter_args(%while3A_163 = %broadcast_in_dim3A_5) -> (vector<16xf32>)  : i32 {
            %mul3A_164 = arith.constant 16 : i32
            %mul3A_165 = arith.muli %while3A_162, %mul3A_164 : i32
            %get3A = arith.index_cast %mul3A_165 : i32 to index
            %get3A_166 = tpu.vector_load %arg15[%get3A] {strides = array<i32>} : memref<10272xf32, #tpu.memory_space<vmem>>, vector<16xf32>,
            %min3A_167 = arith.minimumf %while3A_163, %get3A_166 : vector<16xf32>
            scf.yield %min3A_167 : vector<16xf32>
          }
          %while3A_130 = arith.constant 1 : i32
          %while3A_131 = scf.for %while3A_162 = %while3A_127 to %while3A_123 step %while3A_130 iter_args(%while3A_163 = %while3A_129) -> (vector<16xf32>)  : i32 {
            %mul3A_164 = arith.constant 16 : i32
            %mul3A_165 = arith.muli %while3A_162, %mul3A_164 : i32
            %get3A = arith.index_cast %mul3A_165 : i32 to index
            %get3A_166 = tpu.vector_load %arg15[%get3A] {strides = array<i32>} : memref<10272xf32, #tpu.memory_space<vmem>>, vector<16xf32>,
            %min3A_167 = arith.minimumf %while3A_163, %get3A_166 : vector<16xf32>
            scf.yield %min3A_167 : vector<16xf32>
          }
          %reduce_min3A = arith.constant true
          %reduce_min3A_132 = vector.broadcast %reduce_min3A : i1 to vector<16xi1>
          %reduce_min3A_133 = tpu.scan <min>, %while3A_131 masked %reduce_min3A_132 : vector<16xf32>, vector<16xi1> -> vector<16xf32>
          %reduce_min3A_134 = vector.extract %reduce_min3A_133[15] : f32 from vector<16xf32>
          %broadcast_in_dim3A_135 = arith.constant 40960 : i32
          %broadcast_in_dim3A_136 = vector.broadcast %broadcast_in_dim3A_135 : i32 to vector<16xi32>
          %while3A_137 = arith.constant 0 : i32
          %while3A_138 = arith.subi %select_n3A, %while3A_137 : i32
          %while3A_139 = arith.addi %while3A_137, %while3A_138 : i32
          %while3A_140 = arith.constant 1 : i32
          %while3A_141 = arith.divsi %while3A_138, %while3A_140 : i32
          %while3A_142 = arith.muli %while3A_141, %while3A_140 : i32
          %while3A_143 = arith.addi %while3A_137, %while3A_142 : i32
          %while3A_144 = arith.constant 1 : i32
          %while3A_145 = scf.for %while3A_162 = %while3A_137 to %while3A_143 step %while3A_144 iter_args(%while3A_163 = %broadcast_in_dim3A_136) -> (vector<16xi32>)  : i32 {
            %mul3A_164 = arith.constant 16 : i32
            %mul3A_165 = arith.muli %while3A_162, %mul3A_164 : i32
            %get3A = arith.index_cast %mul3A_165 : i32 to index
            %get3A_166 = tpu.vector_load %arg15[%get3A] {strides = array<i32>} : memref<10272xf32, #tpu.memory_space<vmem>>, vector<16xf32>,
            %mul3A_167 = arith.constant 16 : i32
            %mul3A_168 = arith.muli %while3A_162, %mul3A_167 : i32
            %add3A_169 = vector.broadcast %mul3A_168 : i32 to vector<16xi32>
            %add3A_170 = arith.addi %add3A_169, %iota3A : vector<16xi32>
            %eq3A_171 = vector.broadcast %reduce_min3A_134 : f32 to vector<16xf32>
            %eq3A_172 = arith.cmpf oeq, %get3A_166, %eq3A_171 : vector<16xf32>
            %jit3A_173 = arith.constant 40960 : i32
            %broadcast_in_dim3A_174 = vector.broadcast %jit3A_173 : i32 to vector<16xi32>
            %select_n3A_175 = arith.select %eq3A_172, %add3A_170, %broadcast_in_dim3A_174 : vector<16xi1>, vector<16xi32>
            %min3A_176 = arith.minsi %while3A_163, %select_n3A_175 : vector<16xi32>
            scf.yield %min3A_176 : vector<16xi32>
          }
          %while3A_146 = arith.constant 1 : i32
          %while3A_147 = scf.for %while3A_162 = %while3A_143 to %while3A_139 step %while3A_146 iter_args(%while3A_163 = %while3A_145) -> (vector<16xi32>)  : i32 {
            %mul3A_164 = arith.constant 16 : i32
            %mul3A_165 = arith.muli %while3A_162, %mul3A_164 : i32
            %get3A = arith.index_cast %mul3A_165 : i32 to index
            %get3A_166 = tpu.vector_load %arg15[%get3A] {strides = array<i32>} : memref<10272xf32, #tpu.memory_space<vmem>>, vector<16xf32>,
            %mul3A_167 = arith.constant 16 : i32
            %mul3A_168 = arith.muli %while3A_162, %mul3A_167 : i32
            %add3A_169 = vector.broadcast %mul3A_168 : i32 to vector<16xi32>
            %add3A_170 = arith.addi %add3A_169, %iota3A : vector<16xi32>
            %eq3A_171 = vector.broadcast %reduce_min3A_134 : f32 to vector<16xf32>
            %eq3A_172 = arith.cmpf oeq, %get3A_166, %eq3A_171 : vector<16xf32>
            %jit3A_173 = arith.constant 40960 : i32
            %broadcast_in_dim3A_174 = vector.broadcast %jit3A_173 : i32 to vector<16xi32>
            %select_n3A_175 = arith.select %eq3A_172, %add3A_170, %broadcast_in_dim3A_174 : vector<16xi1>, vector<16xi32>
            %min3A_176 = arith.minsi %while3A_163, %select_n3A_175 : vector<16xi32>
            scf.yield %min3A_176 : vector<16xi32>
          }
          %reduce_min3A_148 = arith.constant true
          %reduce_min3A_149 = vector.broadcast %reduce_min3A_148 : i1 to vector<16xi1>
          %reduce_min3A_150 = arith.constant -2147483648 : i32
          %reduce_min3A_151 = vector.broadcast %reduce_min3A_150 : i32 to vector<16xi32>
          %reduce_min3A_152 = arith.xori %while3A_147, %reduce_min3A_151 : vector<16xi32>
          %reduce_min3A_153 = tpu.scan <min>, %reduce_min3A_152 masked %reduce_min3A_149 : vector<16xi32>, vector<16xi1> -> vector<16xi32>
          %reduce_min3A_154 = arith.xori %reduce_min3A_153, %reduce_min3A_151 : vector<16xi32>
          %reduce_min3A_155 = vector.extract %reduce_min3A_154[15] : i32 from vector<16xi32>
          %broadcast_in_dim3A_156 = vector.broadcast %reduce_min3A_155 : i32 to vector<16xi32>
          %gather3A_157 = tpu.vector_load_idx %arg16[%broadcast_in_dim3A_156] : memref<10272xi32, #tpu.memory_space<vmem>>[vector<16xi32>], vector<16xi32>,
          %mul3A_158 = arith.constant 64 : i32
          %mul3A_159 = arith.muli %scan3A_25, %mul3A_158 : i32
          %add3A_160 = arith.addi %mul3A_159, %while3A_120 : i32
          %broadcast_in_dim3A_161 = vector.broadcast %add3A_160 : i32 to vector<16xi32>
          tpu.vector_store_idx %arg17[%broadcast_in_dim3A_161], %gather3A_157 masked %eq3A_4 : memref<20480xi32, #tpu.memory_space<vmem>>[vector<16xi32>], vector<16xi32>, vector<16xi1>
          tpu.vector_store_idx %arg15[%broadcast_in_dim3A_156], %broadcast_in_dim3A_5 masked %eq3A_4 : memref<10272xf32, #tpu.memory_space<vmem>>[vector<16xi32>], vector<16xf32>, vector<16xi1>
        }
        %while3A_119 = arith.constant 1 : i32
        scf.for %while3A_120 = %while3A_117 to %while3A_113 step %while3A_119  : i32 {
          %while3A_121 = arith.constant 0 : i32
          %while3A_122 = arith.subi %select_n3A, %while3A_121 : i32
          %while3A_123 = arith.addi %while3A_121, %while3A_122 : i32
          %while3A_124 = arith.constant 1 : i32
          %while3A_125 = arith.divsi %while3A_122, %while3A_124 : i32
          %while3A_126 = arith.muli %while3A_125, %while3A_124 : i32
          %while3A_127 = arith.addi %while3A_121, %while3A_126 : i32
          %while3A_128 = arith.constant 1 : i32
          %while3A_129 = scf.for %while3A_162 = %while3A_121 to %while3A_127 step %while3A_128 iter_args(%while3A_163 = %broadcast_in_dim3A_5) -> (vector<16xf32>)  : i32 {
            %mul3A_164 = arith.constant 16 : i32
            %mul3A_165 = arith.muli %while3A_162, %mul3A_164 : i32
            %get3A = arith.index_cast %mul3A_165 : i32 to index
            %get3A_166 = tpu.vector_load %arg15[%get3A] {strides = array<i32>} : memref<10272xf32, #tpu.memory_space<vmem>>, vector<16xf32>,
            %min3A_167 = arith.minimumf %while3A_163, %get3A_166 : vector<16xf32>
            scf.yield %min3A_167 : vector<16xf32>
          }
          %while3A_130 = arith.constant 1 : i32
          %while3A_131 = scf.for %while3A_162 = %while3A_127 to %while3A_123 step %while3A_130 iter_args(%while3A_163 = %while3A_129) -> (vector<16xf32>)  : i32 {
            %mul3A_164 = arith.constant 16 : i32
            %mul3A_165 = arith.muli %while3A_162, %mul3A_164 : i32
            %get3A = arith.index_cast %mul3A_165 : i32 to index
            %get3A_166 = tpu.vector_load %arg15[%get3A] {strides = array<i32>} : memref<10272xf32, #tpu.memory_space<vmem>>, vector<16xf32>,
            %min3A_167 = arith.minimumf %while3A_163, %get3A_166 : vector<16xf32>
            scf.yield %min3A_167 : vector<16xf32>
          }
          %reduce_min3A = arith.constant true
          %reduce_min3A_132 = vector.broadcast %reduce_min3A : i1 to vector<16xi1>
          %reduce_min3A_133 = tpu.scan <min>, %while3A_131 masked %reduce_min3A_132 : vector<16xf32>, vector<16xi1> -> vector<16xf32>
          %reduce_min3A_134 = vector.extract %reduce_min3A_133[15] : f32 from vector<16xf32>
          %broadcast_in_dim3A_135 = arith.constant 40960 : i32
          %broadcast_in_dim3A_136 = vector.broadcast %broadcast_in_dim3A_135 : i32 to vector<16xi32>
          %while3A_137 = arith.constant 0 : i32
          %while3A_138 = arith.subi %select_n3A, %while3A_137 : i32
          %while3A_139 = arith.addi %while3A_137, %while3A_138 : i32
          %while3A_140 = arith.constant 1 : i32
          %while3A_141 = arith.divsi %while3A_138, %while3A_140 : i32
          %while3A_142 = arith.muli %while3A_141, %while3A_140 : i32
          %while3A_143 = arith.addi %while3A_137, %while3A_142 : i32
          %while3A_144 = arith.constant 1 : i32
          %while3A_145 = scf.for %while3A_162 = %while3A_137 to %while3A_143 step %while3A_144 iter_args(%while3A_163 = %broadcast_in_dim3A_136) -> (vector<16xi32>)  : i32 {
            %mul3A_164 = arith.constant 16 : i32
            %mul3A_165 = arith.muli %while3A_162, %mul3A_164 : i32
            %get3A = arith.index_cast %mul3A_165 : i32 to index
            %get3A_166 = tpu.vector_load %arg15[%get3A] {strides = array<i32>} : memref<10272xf32, #tpu.memory_space<vmem>>, vector<16xf32>,
            %mul3A_167 = arith.constant 16 : i32
            %mul3A_168 = arith.muli %while3A_162, %mul3A_167 : i32
            %add3A_169 = vector.broadcast %mul3A_168 : i32 to vector<16xi32>
            %add3A_170 = arith.addi %add3A_169, %iota3A : vector<16xi32>
            %eq3A_171 = vector.broadcast %reduce_min3A_134 : f32 to vector<16xf32>
            %eq3A_172 = arith.cmpf oeq, %get3A_166, %eq3A_171 : vector<16xf32>
            %jit3A_173 = arith.constant 40960 : i32
            %broadcast_in_dim3A_174 = vector.broadcast %jit3A_173 : i32 to vector<16xi32>
            %select_n3A_175 = arith.select %eq3A_172, %add3A_170, %broadcast_in_dim3A_174 : vector<16xi1>, vector<16xi32>
            %min3A_176 = arith.minsi %while3A_163, %select_n3A_175 : vector<16xi32>
            scf.yield %min3A_176 : vector<16xi32>
          }
          %while3A_146 = arith.constant 1 : i32
          %while3A_147 = scf.for %while3A_162 = %while3A_143 to %while3A_139 step %while3A_146 iter_args(%while3A_163 = %while3A_145) -> (vector<16xi32>)  : i32 {
            %mul3A_164 = arith.constant 16 : i32
            %mul3A_165 = arith.muli %while3A_162, %mul3A_164 : i32
            %get3A = arith.index_cast %mul3A_165 : i32 to index
            %get3A_166 = tpu.vector_load %arg15[%get3A] {strides = array<i32>} : memref<10272xf32, #tpu.memory_space<vmem>>, vector<16xf32>,
            %mul3A_167 = arith.constant 16 : i32
            %mul3A_168 = arith.muli %while3A_162, %mul3A_167 : i32
            %add3A_169 = vector.broadcast %mul3A_168 : i32 to vector<16xi32>
            %add3A_170 = arith.addi %add3A_169, %iota3A : vector<16xi32>
            %eq3A_171 = vector.broadcast %reduce_min3A_134 : f32 to vector<16xf32>
            %eq3A_172 = arith.cmpf oeq, %get3A_166, %eq3A_171 : vector<16xf32>
            %jit3A_173 = arith.constant 40960 : i32
            %broadcast_in_dim3A_174 = vector.broadcast %jit3A_173 : i32 to vector<16xi32>
            %select_n3A_175 = arith.select %eq3A_172, %add3A_170, %broadcast_in_dim3A_174 : vector<16xi1>, vector<16xi32>
            %min3A_176 = arith.minsi %while3A_163, %select_n3A_175 : vector<16xi32>
            scf.yield %min3A_176 : vector<16xi32>
          }
          %reduce_min3A_148 = arith.constant true
          %reduce_min3A_149 = vector.broadcast %reduce_min3A_148 : i1 to vector<16xi1>
          %reduce_min3A_150 = arith.constant -2147483648 : i32
          %reduce_min3A_151 = vector.broadcast %reduce_min3A_150 : i32 to vector<16xi32>
          %reduce_min3A_152 = arith.xori %while3A_147, %reduce_min3A_151 : vector<16xi32>
          %reduce_min3A_153 = tpu.scan <min>, %reduce_min3A_152 masked %reduce_min3A_149 : vector<16xi32>, vector<16xi1> -> vector<16xi32>
          %reduce_min3A_154 = arith.xori %reduce_min3A_153, %reduce_min3A_151 : vector<16xi32>
          %reduce_min3A_155 = vector.extract %reduce_min3A_154[15] : i32 from vector<16xi32>
          %broadcast_in_dim3A_156 = vector.broadcast %reduce_min3A_155 : i32 to vector<16xi32>
          %gather3A_157 = tpu.vector_load_idx %arg16[%broadcast_in_dim3A_156] : memref<10272xi32, #tpu.memory_space<vmem>>[vector<16xi32>], vector<16xi32>,
          %mul3A_158 = arith.constant 64 : i32
          %mul3A_159 = arith.muli %scan3A_25, %mul3A_158 : i32
          %add3A_160 = arith.addi %mul3A_159, %while3A_120 : i32
          %broadcast_in_dim3A_161 = vector.broadcast %add3A_160 : i32 to vector<16xi32>
          tpu.vector_store_idx %arg17[%broadcast_in_dim3A_161], %gather3A_157 masked %eq3A_4 : memref<20480xi32, #tpu.memory_space<vmem>>[vector<16xi32>], vector<16xi32>, vector<16xi1>
          tpu.vector_store_idx %arg15[%broadcast_in_dim3A_156], %broadcast_in_dim3A_5 masked %eq3A_4 : memref<10272xf32, #tpu.memory_space<vmem>>[vector<16xi32>], vector<16xf32>, vector<16xi1>
        }
      } else {
      }
      %mul3A_69 = arith.constant 64 : i32
      %mul3A_70 = arith.muli %scan3A_25, %mul3A_69 : i32
      %broadcast_in_dim3A_71 = vector.broadcast %mul3A_70 : i32 to vector<16xi32>
      %gather3A_72 = tpu.vector_load_idx %arg17[%broadcast_in_dim3A_71] : memref<20480xi32, #tpu.memory_space<vmem>>[vector<16xi32>], vector<16xi32>,
      %add3A_73 = arith.constant 0 : i32
      %add3A_74 = vector.broadcast %add3A_73 : i32 to vector<16xi32>
      %add3A_75 = arith.addi %add3A_74, %iota3A : vector<16xi32>
      %mul3A_76 = arith.constant 64 : i32
      %mul3A_77 = arith.muli %scan3A_25, %mul3A_76 : i32
      %add3A_78 = vector.broadcast %mul3A_77 : i32 to vector<16xi32>
      %add3A_79 = arith.addi %add3A_78, %add3A_75 : vector<16xi32>
      %ge3A_80 = vector.broadcast %min3A_39 : i32 to vector<16xi32>
      %ge3A_81 = arith.cmpi sge, %add3A_75, %ge3A_80 : vector<16xi32>
      tpu.vector_store_idx %arg17[%add3A_79], %gather3A_72 masked %ge3A_81 : memref<20480xi32, #tpu.memory_space<vmem>>[vector<16xi32>], vector<16xi32>, vector<16xi1>
      %add3A_82 = arith.constant 16 : i32
      %add3A_83 = vector.broadcast %add3A_82 : i32 to vector<16xi32>
      %add3A_84 = arith.addi %add3A_83, %iota3A : vector<16xi32>
      %mul3A_85 = arith.constant 64 : i32
      %mul3A_86 = arith.muli %scan3A_25, %mul3A_85 : i32
      %add3A_87 = vector.broadcast %mul3A_86 : i32 to vector<16xi32>
      %add3A_88 = arith.addi %add3A_87, %add3A_84 : vector<16xi32>
      %ge3A_89 = vector.broadcast %min3A_39 : i32 to vector<16xi32>
      %ge3A_90 = arith.cmpi sge, %add3A_84, %ge3A_89 : vector<16xi32>
      tpu.vector_store_idx %arg17[%add3A_88], %gather3A_72 masked %ge3A_90 : memref<20480xi32, #tpu.memory_space<vmem>>[vector<16xi32>], vector<16xi32>, vector<16xi1>
      %add3A_91 = arith.constant 32 : i32
      %add3A_92 = vector.broadcast %add3A_91 : i32 to vector<16xi32>
      %add3A_93 = arith.addi %add3A_92, %iota3A : vector<16xi32>
      %mul3A_94 = arith.constant 64 : i32
      %mul3A_95 = arith.muli %scan3A_25, %mul3A_94 : i32
      %add3A_96 = vector.broadcast %mul3A_95 : i32 to vector<16xi32>
      %add3A_97 = arith.addi %add3A_96, %add3A_93 : vector<16xi32>
      %ge3A_98 = vector.broadcast %min3A_39 : i32 to vector<16xi32>
      %ge3A_99 = arith.cmpi sge, %add3A_93, %ge3A_98 : vector<16xi32>
      tpu.vector_store_idx %arg17[%add3A_97], %gather3A_72 masked %ge3A_99 : memref<20480xi32, #tpu.memory_space<vmem>>[vector<16xi32>], vector<16xi32>, vector<16xi1>
      %add3A_100 = arith.constant 48 : i32
      %add3A_101 = vector.broadcast %add3A_100 : i32 to vector<16xi32>
      %add3A_102 = arith.addi %add3A_101, %iota3A : vector<16xi32>
      %mul3A_103 = arith.constant 64 : i32
      %mul3A_104 = arith.muli %scan3A_25, %mul3A_103 : i32
      %add3A_105 = vector.broadcast %mul3A_104 : i32 to vector<16xi32>
      %add3A_106 = arith.addi %add3A_105, %add3A_102 : vector<16xi32>
      %ge3A_107 = vector.broadcast %min3A_39 : i32 to vector<16xi32>
      %ge3A_108 = arith.cmpi sge, %add3A_102, %ge3A_107 : vector<16xi32>
      tpu.vector_store_idx %arg17[%add3A_106], %gather3A_72 masked %ge3A_108 : memref<20480xi32, #tpu.memory_space<vmem>>[vector<16xi32>], vector<16xi32>, vector<16xi1>
      %broadcast_in_dim3A_109 = vector.broadcast %scan3A_25 : i32 to vector<16xi32>
      %broadcast_in_dim3A_110 = vector.broadcast %min3A_39 : i32 to vector<16xi32>
      tpu.vector_store_idx %arg18[%broadcast_in_dim3A_109], %broadcast_in_dim3A_110 masked %eq3A_4 : memref<320xi32, #tpu.memory_space<vmem>>[vector<16xi32>], vector<16xi32>, vector<16xi1>
    }
    %scan3A_16 = arith.constant 320 : i32
    "tpu.region"() ({
      %run_scoped3A = tpu.sem_alloc : memref<!tpu.dma_semaphore, #tpu.memory_space<semaphore_mem>>
      %dma_start3A = tpu.memref_slice %arg10[%mul3A_2] : memref<10240xi32, #tpu.memory_space<hbm>> -> memref<320xi32, #tpu.memory_space<hbm>>
      %dma_start3A_25 = tpu.memref_slice %arg10[%mul3A_2] : memref<10240xi32, #tpu.memory_space<hbm>> -> memref<320xi32, #tpu.memory_space<hbm>>
      tpu.enqueue_dma source(%arg18 : memref<320xi32, #tpu.memory_space<vmem>>) target(%dma_start3A_25 : memref<320xi32, #tpu.memory_space<hbm>>) target_semaphore(%run_scoped3A : memref<!tpu.dma_semaphore, #tpu.memory_space<semaphore_mem>>)
      %dma_wait3A = tpu.memref_slice %arg10[%mul3A_2] : memref<10240xi32, #tpu.memory_space<hbm>> -> memref<320xi32, #tpu.memory_space<hbm>>
      %dma_wait3A_26 = tpu.memref_slice %arg10[%mul3A_2] : memref<10240xi32, #tpu.memory_space<hbm>> -> memref<320xi32, #tpu.memory_space<hbm>>
      tpu.wait_dma2 semaphore(%run_scoped3A : memref<!tpu.dma_semaphore, #tpu.memory_space<semaphore_mem>>) src(%arg18 : memref<320xi32, #tpu.memory_space<vmem>>) dst(%dma_wait3A_26 : memref<320xi32, #tpu.memory_space<hbm>>)
      tpu.yield
    }) : () -> ()
    %mul3A_17 = arith.constant 64 : i32
    %mul3A_18 = arith.muli %mul3A_2, %mul3A_17 : i32
    %scan3A_19 = arith.constant 0 : i32
    %scan3A_20 = arith.constant 0 : i32
    %scan3A_21 = arith.constant 80 : i32
    %scan3A_22 = arith.addi %scan3A_20, %scan3A_21 : i32
    %scan3A_23 = arith.constant 1 : i32
    scf.for %scan3A_25 = %scan3A_20 to %scan3A_22 step %scan3A_23  : i32 {
      %mul3A_26 = arith.constant 2 : i32
      %mul3A_27 = arith.muli %mul3A_26, %scan3A_25 : i32
      %mul3A_28 = arith.constant 128 : i32
      %mul3A_29 = arith.muli %mul3A_27, %mul3A_28 : i32
      %dma_start3A = tpu.memref_slice %arg17[%mul3A_29] : memref<20480xi32, #tpu.memory_space<vmem>> -> memref<128xi32, #tpu.memory_space<vmem>>
      %dma_start3A_30 = arith.constant 0 : i32
      %dma_start3A_31 = arith.constant 0 : i32
      %dma_start3A_32 = tpu.memref_slice %arg8[%dma_start3A_30, %dma_start3A_31] : memref<10240x128xf32, #tpu.memory_space<hbm>> -> memref<10240x128xf32, #tpu.memory_space<hbm>>
      tpu.enqueue_indirect_dma source(%dma_start3A_32 : memref<10240x128xf32, #tpu.memory_space<hbm>>) target(%arg19 : memref<128x128xf32, #tpu.memory_space<vmem>>) offsets(%dma_start3A : memref<128xi32, #tpu.memory_space<vmem>>) semaphore(%arg21 : memref<!tpu.dma_semaphore, #tpu.memory_space<semaphore_mem>>)
      %add3A_33 = arith.constant 1 : i32
      %add3A_34 = arith.addi %mul3A_27, %add3A_33 : i32
      %mul3A_35 = arith.constant 128 : i32
      %mul3A_36 = arith.muli %add3A_34, %mul3A_35 : i32
      %dma_start3A_37 = tpu.memref_slice %arg17[%mul3A_36] : memref<20480xi32, #tpu.memory_space<vmem>> -> memref<128xi32, #tpu.memory_space<vmem>>
      %dma_start3A_38 = arith.constant 0 : i32
      %dma_start3A_39 = arith.constant 0 : i32
      %dma_start3A_40 = tpu.memref_slice %arg8[%dma_start3A_38, %dma_start3A_39] : memref<10240x128xf32, #tpu.memory_space<hbm>> -> memref<10240x128xf32, #tpu.memory_space<hbm>>
      tpu.enqueue_indirect_dma source(%dma_start3A_40 : memref<10240x128xf32, #tpu.memory_space<hbm>>) target(%arg20 : memref<128x128xf32, #tpu.memory_space<vmem>>) offsets(%dma_start3A_37 : memref<128xi32, #tpu.memory_space<vmem>>) semaphore(%arg22 : memref<!tpu.dma_semaphore, #tpu.memory_space<semaphore_mem>>)
      %dma_wait3A = tpu.memref_slice %arg17[%mul3A_29] : memref<20480xi32, #tpu.memory_space<vmem>> -> memref<128xi32, #tpu.memory_space<vmem>>
      %dma_wait3A_41 = arith.constant 0 : i32
      %dma_wait3A_42 = arith.constant 0 : i32
      %dma_wait3A_43 = tpu.memref_slice %arg8[%dma_wait3A_41, %dma_wait3A_42] : memref<10240x128xf32, #tpu.memory_space<hbm>> -> memref<10240x128xf32, #tpu.memory_space<hbm>>
      tpu.wait_indirect_dma semaphore(%arg21 : memref<!tpu.dma_semaphore, #tpu.memory_space<semaphore_mem>>) src(%dma_wait3A_43 : memref<10240x128xf32, #tpu.memory_space<hbm>>) dst(%arg19 : memref<128x128xf32, #tpu.memory_space<vmem>>)
      %mul3A_44 = arith.constant 128 : i32
      %mul3A_45 = arith.muli %mul3A_27, %mul3A_44 : i32
      %add3A_46 = arith.addi %mul3A_18, %mul3A_45 : i32
      %dma_start3A_47 = arith.constant 0 : i32
      %dma_start3A_48 = tpu.memref_slice %arg9[%add3A_46, %dma_start3A_47] : memref<655360x128xf32, #tpu.memory_space<hbm>> -> memref<128x128xf32, #tpu.memory_space<hbm>>
      %dma_start3A_49 = arith.constant 0 : i32
      %dma_start3A_50 = tpu.memref_slice %arg9[%add3A_46, %dma_start3A_49] : memref<655360x128xf32, #tpu.memory_space<hbm>> -> memref<128x128xf32, #tpu.memory_space<hbm>>
      tpu.enqueue_dma source(%arg19 : memref<128x128xf32, #tpu.memory_space<vmem>>) target(%dma_start3A_50 : memref<128x128xf32, #tpu.memory_space<hbm>>) target_semaphore(%arg23 : memref<!tpu.dma_semaphore, #tpu.memory_space<semaphore_mem>>)
      %dma_wait3A_51 = tpu.memref_slice %arg17[%mul3A_36] : memref<20480xi32, #tpu.memory_space<vmem>> -> memref<128xi32, #tpu.memory_space<vmem>>
      %dma_wait3A_52 = arith.constant 0 : i32
      %dma_wait3A_53 = arith.constant 0 : i32
      %dma_wait3A_54 = tpu.memref_slice %arg8[%dma_wait3A_52, %dma_wait3A_53] : memref<10240x128xf32, #tpu.memory_space<hbm>> -> memref<10240x128xf32, #tpu.memory_space<hbm>>
      tpu.wait_indirect_dma semaphore(%arg22 : memref<!tpu.dma_semaphore, #tpu.memory_space<semaphore_mem>>) src(%dma_wait3A_54 : memref<10240x128xf32, #tpu.memory_space<hbm>>) dst(%arg20 : memref<128x128xf32, #tpu.memory_space<vmem>>)
      %add3A_55 = arith.constant 1 : i32
      %add3A_56 = arith.addi %mul3A_27, %add3A_55 : i32
      %mul3A_57 = arith.constant 128 : i32
      %mul3A_58 = arith.muli %add3A_56, %mul3A_57 : i32
      %add3A_59 = arith.addi %mul3A_18, %mul3A_58 : i32
      %dma_start3A_60 = arith.constant 0 : i32
      %dma_start3A_61 = tpu.memref_slice %arg9[%add3A_59, %dma_start3A_60] : memref<655360x128xf32, #tpu.memory_space<hbm>> -> memref<128x128xf32, #tpu.memory_space<hbm>>
      %dma_start3A_62 = arith.constant 0 : i32
      %dma_start3A_63 = tpu.memref_slice %arg9[%add3A_59, %dma_start3A_62] : memref<655360x128xf32, #tpu.memory_space<hbm>> -> memref<128x128xf32, #tpu.memory_space<hbm>>
      tpu.enqueue_dma source(%arg20 : memref<128x128xf32, #tpu.memory_space<vmem>>) target(%dma_start3A_63 : memref<128x128xf32, #tpu.memory_space<hbm>>) target_semaphore(%arg24 : memref<!tpu.dma_semaphore, #tpu.memory_space<semaphore_mem>>)
      %dma_wait3A_64 = arith.constant 0 : i32
      %dma_wait3A_65 = tpu.memref_slice %arg9[%add3A_46, %dma_wait3A_64] : memref<655360x128xf32, #tpu.memory_space<hbm>> -> memref<128x128xf32, #tpu.memory_space<hbm>>
      %dma_wait3A_66 = arith.constant 0 : i32
      %dma_wait3A_67 = tpu.memref_slice %arg9[%add3A_46, %dma_wait3A_66] : memref<655360x128xf32, #tpu.memory_space<hbm>> -> memref<128x128xf32, #tpu.memory_space<hbm>>
      tpu.wait_dma2 semaphore(%arg23 : memref<!tpu.dma_semaphore, #tpu.memory_space<semaphore_mem>>) src(%arg19 : memref<128x128xf32, #tpu.memory_space<vmem>>) dst(%dma_wait3A_67 : memref<128x128xf32, #tpu.memory_space<hbm>>)
      %dma_wait3A_68 = arith.constant 0 : i32
      %dma_wait3A_69 = tpu.memref_slice %arg9[%add3A_59, %dma_wait3A_68] : memref<655360x128xf32, #tpu.memory_space<hbm>> -> memref<128x128xf32, #tpu.memory_space<hbm>>
      %dma_wait3A_70 = arith.constant 0 : i32
      %dma_wait3A_71 = tpu.memref_slice %arg9[%add3A_59, %dma_wait3A_70] : memref<655360x128xf32, #tpu.memory_space<hbm>> -> memref<128x128xf32, #tpu.memory_space<hbm>>
      tpu.wait_dma2 semaphore(%arg24 : memref<!tpu.dma_semaphore, #tpu.memory_space<semaphore_mem>>) src(%arg20 : memref<128x128xf32, #tpu.memory_space<vmem>>) dst(%dma_wait3A_71 : memref<128x128xf32, #tpu.memory_space<hbm>>)
    }
    %scan3A_24 = arith.constant 80 : i32
    return
  }
}

module attributes {stable_mosaic.version = 14 : i64} {
  func.func @_prep_body(%arg0: i32, %arg1: memref<256x128xf32, #tpu.memory_space<vmem>>, %arg2: memref<256x3xf32, #tpu.memory_space<vmem>>, %arg3: memref<128x128xf32, #tpu.memory_space<vmem>>, %arg4: memref<3x128xf32, #tpu.memory_space<vmem>>, %arg5: memref<1x128xf32, #tpu.memory_space<vmem>>, %arg6: memref<256x128xf32, #tpu.memory_space<vmem>>, %arg7: memref<256x128xf32, #tpu.memory_space<vmem>>) attributes {dimension_semantics = [#tpu.dimension_semantics<arbitrary>], iteration_bounds = array<i64: 40>, scalar_prefetch = 0 : i64, scratch_operands = 0 : i64, tpu.core_type = #tpu.core_type<tc>, window_params = [{transform_indices = @transform_0, window_bounds = array<i64: 256, 128>}, {transform_indices = @transform_1, window_bounds = array<i64: 256, 3>}, {pipeline_mode = #tpu.pipeline_mode<synchronous>, transform_indices = @transform_2, window_bounds = array<i64: 128, 128>}, {pipeline_mode = #tpu.pipeline_mode<synchronous>, transform_indices = @transform_3, window_bounds = array<i64: 3, 128>}, {pipeline_mode = #tpu.pipeline_mode<synchronous>, transform_indices = @transform_4, window_bounds = array<i64: 1, 128>}, {transform_indices = @transform_5, window_bounds = array<i64: 256, 128>}, {transform_indices = @transform_6, window_bounds = array<i64: 256, 128>}]} {
    %get3A = arith.constant 0 : index
    %get3A_0 = arith.constant 0 : index
    %get3A_1 = vector.load %arg2[%get3A, %get3A_0] : memref<256x3xf32, #tpu.memory_space<vmem>>, vector<256x1xf32>
    %get3A_2 = arith.constant 0 : index
    %get3A_3 = arith.constant 0 : index
    %get3A_4 = vector.load %arg4[%get3A_2, %get3A_3] : memref<3x128xf32, #tpu.memory_space<vmem>>, vector<1x128xf32>
    %mul3A = vector.broadcast %get3A_1 : vector<256x1xf32> to vector<256x128xf32>
    %mul3A_5 = vector.broadcast %get3A_4 : vector<1x128xf32> to vector<256x128xf32>
    %mul3A_6 = arith.mulf %mul3A, %mul3A_5 : vector<256x128xf32>
    %get3A_7 = arith.constant 0 : index
    %get3A_8 = arith.constant 1 : index
    %get3A_9 = vector.load %arg2[%get3A_7, %get3A_8] : memref<256x3xf32, #tpu.memory_space<vmem>>, vector<256x1xf32>
    %get3A_10 = arith.constant 1 : index
    %get3A_11 = arith.constant 0 : index
    %get3A_12 = vector.load %arg4[%get3A_10, %get3A_11] : memref<3x128xf32, #tpu.memory_space<vmem>>, vector<1x128xf32>
    %mul3A_13 = vector.broadcast %get3A_9 : vector<256x1xf32> to vector<256x128xf32>
    %mul3A_14 = vector.broadcast %get3A_12 : vector<1x128xf32> to vector<256x128xf32>
    %mul3A_15 = arith.mulf %mul3A_13, %mul3A_14 : vector<256x128xf32>
    %add3A = arith.addf %mul3A_6, %mul3A_15 : vector<256x128xf32>
    %get3A_16 = arith.constant 0 : index
    %get3A_17 = arith.constant 2 : index
    %get3A_18 = vector.load %arg2[%get3A_16, %get3A_17] : memref<256x3xf32, #tpu.memory_space<vmem>>, vector<256x1xf32>
    %get3A_19 = arith.constant 2 : index
    %get3A_20 = arith.constant 0 : index
    %get3A_21 = vector.load %arg4[%get3A_19, %get3A_20] : memref<3x128xf32, #tpu.memory_space<vmem>>, vector<1x128xf32>
    %mul3A_22 = vector.broadcast %get3A_18 : vector<256x1xf32> to vector<256x128xf32>
    %mul3A_23 = vector.broadcast %get3A_21 : vector<1x128xf32> to vector<256x128xf32>
    %mul3A_24 = arith.mulf %mul3A_22, %mul3A_23 : vector<256x128xf32>
    %add3A_25 = arith.addf %add3A, %mul3A_24 : vector<256x128xf32>
    %get3A_26 = arith.constant 0 : index
    %get3A_27 = arith.constant 0 : index
    %get3A_28 = vector.load %arg1[%get3A_26, %get3A_27] : memref<256x128xf32, #tpu.memory_space<vmem>>, vector<256x128xf32>
    %get3A_29 = arith.constant 0 : index
    %get3A_30 = arith.constant 0 : index
    %get3A_31 = vector.load %arg3[%get3A_29, %get3A_30] : memref<128x128xf32, #tpu.memory_space<vmem>>, vector<128x128xf32>
    %dot_general3A = arith.constant dense<0.000000e+00> : vector<256x128xf32>
    %dot_general3A_32 = tpu.matmul %get3A_28, %get3A_31, %dot_general3A {dimension_numbers = #tpu.dot_dimension_numbers<[1], [0], [0], [1], [0, 0, 1, 1], [], []>, transpose_lhs_hint = false} : vector<256x128xf32>, vector<128x128xf32>, vector<256x128xf32> -> vector<256x128xf32>
    %add3A_33 = arith.addf %dot_general3A_32, %add3A_25 : vector<256x128xf32>
    %swap3A = arith.constant 0 : index
    %swap3A_34 = arith.constant 0 : index
    %swap3A_35 = vector.load %arg6[%swap3A, %swap3A_34] : memref<256x128xf32, #tpu.memory_space<vmem>>, vector<256x128xf32>
    tpu.vector_store %arg6[%swap3A, %swap3A_34], %add3A_33 {strides = array<i32>} : memref<256x128xf32, #tpu.memory_space<vmem>>, vector<256x128xf32>,
    %get3A_36 = arith.constant 0 : index
    %get3A_37 = arith.constant 0 : index
    %get3A_38 = vector.load %arg5[%get3A_36, %get3A_37] : memref<1x128xf32, #tpu.memory_space<vmem>>, vector<1x128xf32>
    %sub3A = vector.broadcast %get3A_38 : vector<1x128xf32> to vector<256x128xf32>
    %sub3A_39 = arith.subf %sub3A, %add3A_25 : vector<256x128xf32>
    %swap3A_40 = arith.constant 0 : index
    %swap3A_41 = arith.constant 0 : index
    %swap3A_42 = vector.load %arg7[%swap3A_40, %swap3A_41] : memref<256x128xf32, #tpu.memory_space<vmem>>, vector<256x128xf32>
    tpu.vector_store %arg7[%swap3A_40, %swap3A_41], %sub3A_39 {strides = array<i32>} : memref<256x128xf32, #tpu.memory_space<vmem>>, vector<256x128xf32>,
    return
  }
  func.func @transform_0(%arg0: i32) -> (i32, i32) {
    %c0_i32 = arith.constant 0 : i32
    %c0_i32_0 = arith.constant 0 : i32
    return %arg0, %c0_i32 : i32, i32
  }
  func.func @transform_1(%arg0: i32) -> (i32, i32) {
    %c0_i32 = arith.constant 0 : i32
    %c0_i32_0 = arith.constant 0 : i32
    return %arg0, %c0_i32 : i32, i32
  }
  func.func @transform_2(%arg0: i32) -> (i32, i32) {
    %c0_i32 = arith.constant 0 : i32
    %c0_i32_0 = arith.constant 0 : i32
    %c0_i32_1 = arith.constant 0 : i32
    return %c0_i32, %c0_i32_0 : i32, i32
  }
  func.func @transform_3(%arg0: i32) -> (i32, i32) {
    %c0_i32 = arith.constant 0 : i32
    %c0_i32_0 = arith.constant 0 : i32
    %c0_i32_1 = arith.constant 0 : i32
    return %c0_i32, %c0_i32_0 : i32, i32
  }
  func.func @transform_4(%arg0: i32) -> (i32, i32) {
    %c0_i32 = arith.constant 0 : i32
    %c0_i32_0 = arith.constant 0 : i32
    %c0_i32_1 = arith.constant 0 : i32
    return %c0_i32, %c0_i32_0 : i32, i32
  }
  func.func @transform_5(%arg0: i32) -> (i32, i32) {
    %c0_i32 = arith.constant 0 : i32
    %c0_i32_0 = arith.constant 0 : i32
    return %arg0, %c0_i32 : i32, i32
  }
  func.func @transform_6(%arg0: i32) -> (i32, i32) {
    %c0_i32 = arith.constant 0 : i32
    %c0_i32_0 = arith.constant 0 : i32
    return %arg0, %c0_i32 : i32, i32
  }
}

module attributes {stable_mosaic.version = 14 : i64} {
  func.func @_conv_body(%arg0: i32, %arg1: memref<4096x128xf32, #tpu.memory_space<vmem>>, %arg2: memref<64x128xf32, #tpu.memory_space<vmem>>, %arg3: memref<128x128xf32, #tpu.memory_space<vmem>>, %arg4: memref<1x128xf32, #tpu.memory_space<vmem>>, %arg5: memref<64x128xf32, #tpu.memory_space<vmem>>) attributes {dimension_semantics = [#tpu.dimension_semantics<arbitrary>], iteration_bounds = array<i64: 160>, scalar_prefetch = 0 : i64, scratch_operands = 0 : i64, tpu.core_type = #tpu.core_type<tc>, window_params = [{transform_indices = @transform_0, window_bounds = array<i64: 4096, 128>}, {transform_indices = @transform_1, window_bounds = array<i64: 64, 128>}, {pipeline_mode = #tpu.pipeline_mode<synchronous>, transform_indices = @transform_2, window_bounds = array<i64: 128, 128>}, {pipeline_mode = #tpu.pipeline_mode<synchronous>, transform_indices = @transform_3, window_bounds = array<i64: 1, 128>}, {transform_indices = @transform_4, window_bounds = array<i64: 64, 128>}]} {
    %get3A = arith.constant 0 : index
    %get3A_0 = arith.constant 0 : index
    %get3A_1 = vector.load %arg1[%get3A, %get3A_0] : memref<4096x128xf32, #tpu.memory_space<vmem>>, vector<4096x128xf32>
    %reshape3A = vector.shape_cast %get3A_1 : vector<4096x128xf32> to vector<64x64x128xf32>
    %get3A_2 = arith.constant 0 : index
    %get3A_3 = arith.constant 0 : index
    %get3A_4 = vector.load %arg2[%get3A_2, %get3A_3] : memref<64x128xf32, #tpu.memory_space<vmem>>, vector<64x128xf32>
    %broadcast_in_dim3A = vector.shape_cast %get3A_4 : vector<64x128xf32> to vector<64x1x128xf32>
    %add3A = vector.broadcast %broadcast_in_dim3A : vector<64x1x128xf32> to vector<64x64x128xf32>
    %add3A_5 = arith.addf %reshape3A, %add3A : vector<64x64x128xf32>
    %max3A = arith.constant 0.000000e+00 : f32
    %max3A_6 = vector.broadcast %max3A : f32 to vector<64x64x128xf32>
    %max3A_7 = arith.maximumf %add3A_5, %max3A_6 : vector<64x64x128xf32>
    %reshape3A_8 = vector.shape_cast %max3A_7 : vector<64x64x128xf32> to vector<4096x128xf32>
    %get3A_9 = arith.constant 0 : index
    %get3A_10 = arith.constant 0 : index
    %get3A_11 = vector.load %arg3[%get3A_9, %get3A_10] : memref<128x128xf32, #tpu.memory_space<vmem>>, vector<128x128xf32>
    %dot_general3A = arith.constant dense<0.000000e+00> : vector<4096x128xf32>
    %dot_general3A_12 = tpu.matmul %reshape3A_8, %get3A_11, %dot_general3A {dimension_numbers = #tpu.dot_dimension_numbers<[1], [0], [0], [1], [0, 0, 1, 1], [], []>, transpose_lhs_hint = false} : vector<4096x128xf32>, vector<128x128xf32>, vector<4096x128xf32> -> vector<4096x128xf32>
    %get3A_13 = arith.constant 0 : index
    %get3A_14 = arith.constant 0 : index
    %get3A_15 = vector.load %arg4[%get3A_13, %get3A_14] : memref<1x128xf32, #tpu.memory_space<vmem>>, vector<1x128xf32>
    %add3A_16 = vector.broadcast %get3A_15 : vector<1x128xf32> to vector<4096x128xf32>
    %add3A_17 = arith.addf %dot_general3A_12, %add3A_16 : vector<4096x128xf32>
    %reshape3A_18 = vector.shape_cast %add3A_17 : vector<4096x128xf32> to vector<64x64x128xf32>
    %reduce_max3A = arith.constant dense<0xFF800000> : vector<64x128xf32>
    %reduce_max3A_19 = vector.multi_reduction <maximumf>, %reshape3A_18, %reduce_max3A [1] : vector<64x64x128xf32> to vector<64x128xf32>
    %swap3A = arith.constant 0 : index
    %swap3A_20 = arith.constant 0 : index
    %swap3A_21 = vector.load %arg5[%swap3A, %swap3A_20] : memref<64x128xf32, #tpu.memory_space<vmem>>, vector<64x128xf32>
    tpu.vector_store %arg5[%swap3A, %swap3A_20], %reduce_max3A_19 {strides = array<i32>} : memref<64x128xf32, #tpu.memory_space<vmem>>, vector<64x128xf32>,
    return
  }
  func.func @transform_0(%arg0: i32) -> (i32, i32) {
    %c0_i32 = arith.constant 0 : i32
    %c0_i32_0 = arith.constant 0 : i32
    return %arg0, %c0_i32 : i32, i32
  }
  func.func @transform_1(%arg0: i32) -> (i32, i32) {
    %c0_i32 = arith.constant 0 : i32
    %c0_i32_0 = arith.constant 0 : i32
    return %arg0, %c0_i32 : i32, i32
  }
  func.func @transform_2(%arg0: i32) -> (i32, i32) {
    %c0_i32 = arith.constant 0 : i32
    %c0_i32_0 = arith.constant 0 : i32
    %c0_i32_1 = arith.constant 0 : i32
    return %c0_i32, %c0_i32_0 : i32, i32
  }
  func.func @transform_3(%arg0: i32) -> (i32, i32) {
    %c0_i32 = arith.constant 0 : i32
    %c0_i32_0 = arith.constant 0 : i32
    %c0_i32_1 = arith.constant 0 : i32
    return %c0_i32, %c0_i32_0 : i32, i32
  }
  func.func @transform_4(%arg0: i32) -> (i32, i32) {
    %c0_i32 = arith.constant 0 : i32
    %c0_i32_0 = arith.constant 0 : i32
    return %arg0, %c0_i32 : i32, i32
  }
}

</mosaic_0001>

<sc_bundles>
// kernel: kernel.5.cloned.1.call-start
scs
__scs_entry_jumppad:
0x0: {  	(pc) =	sbr.rel $0x88, $3  }
0x1: {  	(tag) =	ssettag $0x0;
	lr =	simm.s32 $0x1  }
0x2: {  	[smem:$0x3F9A] =	sst lr;
	_ =	strace $0xD0000000  }
0x3: {  	_ = 	snop  }
0x4: {  	_ = 	snop  }
0x5: {  	_ = 	snop  }
0x6: {  	_ = 	snop  }
0x7: {  	_ = 	snop  }
__scs_overlays_trampoline_lowered:
0x8: {  	[smem:$0x3FA9] =	sst s0  }
0x9: {  	[smem:$0x3FAA] =	sst s1  }
0xa: {  	[smem:$0x3FAB] =	sst s2  }
0xb: {  	[smem:$0x3FAC] =	sst s3  }
0xc: {  	[smem:$0x3FAD] =	sst s4  }
0xd: {  	[smem:$0x3FAE] =	sst s5  }
0xe: {  	[smem:$0x3FAF] =	sst s6  }
0xf: {  	[smem:$0x3FB0] =	sst s7  }
0x10: {  	[smem:$0x3FB1] =	sst s8  }
0x11: {  	[smem:$0x3FB2] =	sst s9;
	s0 =	simm.s32 @!p0 $0x0  }
0x12: {  	s1 =	sld [smem:$0x3F98];
	s0 =	simm.s32 @p0 $0x1  }
0x13: {  	[smem:$0x3FB3] =	sst s0;
	s0 =	simm.s32 @!p1 $0x0  }
0x14: {  	s2 =	sld [smem:$0x3F97];
	s0 =	simm.s32 @p1 $0x1  }
0x15: {  	[smem:$0x3FB4] =	sst s0;
	s0 =	simm.s32 @!p2 $0x0  }
0x16: {  	s3 =	sld [smem:$0x3FDB];
	s0 =	simm.s32 @p2 $0x1  }
0x17: {  	s4 =	simm.s32 $0x1BF5;
	[smem:$0x3FB6] =	sst s0  }
0x18: {  	s0 =	sld [smem:$0x3F99];
	_ =	swait.ge [sflag:s4], $0x0  }
0x19: {  	s7 =	sld [smem:$0x3F9A]  }
0x1a: {  	s8 =	sadd.s32 $0xFFFFE003, lr  }
0x1b: {  	s9 =	sadd.s32 $0xFFFFFEF7, lr;
	s5 =	simm.s32 $0xFFFFFFFF;
	p2 =	slt.u32 s8, $0xFFFFF086  }
0x1c: {  	p1 =	slt.u32 s9, $0xF7A;
	s5 =	simm.s32 @!p2 $0x0  }
0x1d: {  	s5 =	simm.s32 @p1 $0x1;
	p0 =	seq.s32 s7, s2  }
0x1e: {  	s7 =	smul.u32 @!p0 $0xF7A, s2;
	p2 =	seq.s32 @!p0 s5, $0x0  }
0x1f: {  	s9 =	smul.u32 $0xF7A, s1;
	s8 =	simm.s32 @!p0 $0x1BF5;
	p2 =	por !p2, p0  }
0x20: {  	[sflag:s8] =	ssyncset.s32 @!p0 $0xFFFFF086;
	s6 =	sadd.s32 @!p0 s3, s7;
	s7 =	simm.s32 @!p0 $0x108  }
0x21: {  	s3 =	sadd.s32 s3, s9;
	s6 =	sadd.s32 @!p0 $0x88, s6;
	s7 =	simm.s32 @p2 $0x1082  }
0x22: {  	[simem:s7], [sflag:s8] =	dma.local @!p0 [hbm:s6], $0xF7A  }
0x23: {  	s9 =	sor.u32 $0xD0000000, s2;
	s6 =	simm.s32 $0x108;
	_ =	swait.ge @!p0 [sflag:s8], $0x0  }
0x24: {  	s3 =	sadd.s32 $0x88, s3;
	s6 =	simm.s32 @!p1 $0x1082;
	[sflag:s4] =	ssyncset.s32 $0xFFFFF086  }
0x25: {  	[simem:s6], [sflag:s4] =	dma.local [hbm:s3], $0xF7A  }
0x26: {  	[smem:$0x3F9A] =	sst s1;
	(tag) =	ssettag s2;
	_ =	strace s9  }
0x27: {  	s1 =	sld [smem:$0x3FAA]  }
0x28: {  	s2 =	sld [smem:$0x3FAB]  }
0x29: {  	s4 =	sld [smem:$0x3FAD]  }
0x2a: {  	p0 =	seq.s32 s5, $0x0;
	s5 =	sld [smem:$0x3FAE]  }
0x2b: {  	s6 =	sld [smem:$0x3FAF]  }
0x2c: {  	s7 =	sld [smem:$0x3FB0]  }
0x2d: {  	s3 =	simm.s32 $0x108;
	s8 =	sld [smem:$0x3FB1]  }
0x2e: {  	s3 =	simm.s32 @!p0 $0x1082;
	s9 =	sld [smem:$0x3FB2]  }
0x2f: {  	lr =	sadd.s32 s0, s3;
	s0 =	sld [smem:$0x3FA9]  }
0x30: {  	s3 =	sld [smem:$0x3FAC]  }
0x31: {  	[smem:$0x3FB5] =	sst s10  }
0x32: {  	s10 =	sld [smem:$0x3FB3];
	_ =	sdelay $0x3  }
0x33: {  	p0 =	seq.s32 s10, $0x1;
	s10 =	sld [smem:$0x3FB5];
	_ =	sdelay $0x3  }
0x34: {  	[smem:$0x3FB5] =	sst s10  }
0x35: {  	s10 =	sld [smem:$0x3FB4];
	_ =	sdelay $0x3  }
0x36: {  	p1 =	seq.s32 s10, $0x1;
	s10 =	sld [smem:$0x3FB5];
	_ =	sdelay $0x3  }
0x37: {  	[smem:$0x3FB5] =	sst s10  }
0x38: {  	s10 =	sld [smem:$0x3FB6]  }
0x39: {  	_ = 	snop;
	(pc) =	sbr.ind lr, $3  }
0x3a: {  	_ = 	snop  }
0x3b: {  	_ = 	snop  }
0x3c: {  	p2 =	seq.s32 s10, $0x1;
	s10 =	sld [smem:$0x3FB5]  }
0x3d: {  	_ =	shalt  }
0x3e: {  	_ =	shalt  }
0x3f: {  	_ =	shalt  }
0x40: {  	_ =	shalt  }
0x41: {  	_ =	shalt  }
0x42: {  	_ =	shalt  }
0x43: {  	_ =	shalt  }
0x44: {  	_ =	shalt  }
0x45: {  	_ =	shalt  }
0x46: {  	_ =	shalt  }
0x47: {  	_ =	shalt  }
0x48: {  	_ =	shalt  }
0x49: {  	_ =	shalt  }
0x4a: {  	_ =	shalt  }
0x4b: {  	_ =	shalt  }
0x4c: {  	_ =	shalt  }
0x4d: {  	_ =	shalt  }
0x4e: {  	_ =	shalt  }
0x4f: {  	_ =	shalt  }
0x50: {  	_ =	shalt  }
0x51: {  	_ =	shalt  }
0x52: {  	_ =	shalt  }
0x53: {  	_ =	shalt  }
0x54: {  	_ =	shalt  }
0x55: {  	_ =	shalt  }
0x56: {  	_ =	shalt  }
0x57: {  	_ =	shalt  }
0x58: {  	_ =	shalt  }
0x59: {  	_ =	shalt  }
0x5a: {  	_ =	shalt  }
0x5b: {  	_ =	shalt  }
0x5c: {  	_ =	shalt  }
0x5d: {  	_ =	shalt  }
0x5e: {  	_ =	shalt  }
0x5f: {  	_ =	shalt  }
0x60: {  	_ =	shalt  }
0x61: {  	_ =	shalt  }
0x62: {  	_ =	shalt  }
0x63: {  	_ =	shalt  }
0x64: {  	_ =	shalt  }
0x65: {  	_ =	shalt  }
0x66: {  	_ =	shalt  }
0x67: {  	_ =	shalt  }
0x68: {  	_ =	shalt  }
0x69: {  	_ =	shalt  }
0x6a: {  	_ =	shalt  }
0x6b: {  	_ =	shalt  }
0x6c: {  	_ =	shalt  }
0x6d: {  	_ =	shalt  }
0x6e: {  	_ =	shalt  }
0x6f: {  	_ =	shalt  }
0x70: {  	_ =	shalt  }
0x71: {  	_ =	shalt  }
0x72: {  	_ =	shalt  }
0x73: {  	_ =	shalt  }
0x74: {  	_ =	shalt  }
0x75: {  	_ =	shalt  }
0x76: {  	_ =	shalt  }
0x77: {  	_ =	shalt  }
0x78: {  	_ =	shalt  }
0x79: {  	_ =	shalt  }
0x7a: {  	_ =	shalt  }
0x7b: {  	_ =	shalt  }
0x7c: {  	_ =	shalt  }
0x7d: {  	_ =	shalt  }
0x7e: {  	_ =	shalt  }
0x7f: {  	_ =	shalt  }
0x80: {  	_ =	shalt  }
0x81: {  	_ =	shalt  }
0x82: {  	_ =	shalt  }
0x83: {  	_ =	shalt  }
0x84: {  	_ =	shalt  }
0x85: {  	_ =	shalt  }
0x86: {  	_ =	shalt  }
0x87: {  	_ =	shalt  }
.Lfunc_end0:
.L_simem_size_0:
called_computation_lowered:
.L_overlay_start_0:
0x88: {  	s2 =	sld [smem:$0x3FD9]  }
0x89: {  	s3 =	sld [smem:$0x3FFE];
	_ =	sdelay $0x1  }
0x8a: {  	s1 =	srdreg.scid  }
0x8b: {  	s0 =	sand.u32 $0x1, s1  }
0x8c: {  	s14 =	sshll.u32 s0, $0xA;
	s2 =	sadd.s32 s3, s2  }
0x8d: {  	s2 =	sadd.s32 s2, s14  }
0x8e: {  	[smem:$0x3FC1] =	sst s2  }
0x8f: {  	_ = 	snop  }
0x90: {  	s2 =	sld [smem:$0x3FD0];
	_ =	sdelay $0x2  }
0x91: {  	s15 =	simm.s32 $0xA;
	s4 =	simm.s32 $0x10  }
0x92: {  	[smem:s4], [sflag:s15] =	dma.local [hbm:s2], $0x1  }
0x93: {  	_ =	swait.eq [sflag:s15], $0x1  }
0x94: {  	s16 =	sld [smem:$0x10];
	[sflag:s15] =	ssyncset.done $0x0  }
0x95: {  	s17 =	sld [smem:$0x11];
	[sflag:s15] =	ssyncadd.s32 $0xFFFFFFFF  }
0x96: {  	s18 =	sld [smem:$0x12];
	(tm) =	ssettm $0x1  }
0x97: {  	s5 =	sld [smem:$0x3FFB];
	_ =	sdelay $0x3  }
0x98: {  	_ =	strace s5  }
0x99: {  	s5 =	sld [smem:$0x3FFC];
	_ =	sdelay $0x3  }
0x9a: {  	_ =	strace s5  }
0x9b: {  	s5 =	sld [smem:$0x3FFD];
	_ =	sdelay $0x3  }
0x9c: {  	_ =	strace s5  }
0x9d: {  	_ =	strace $0x8FFFFFFF  }
0x9e: {  	s19 =	sld [smem:$0x3FDB];
	_ =	sdelay $0x1  }
0x9f: {  	s6 =	simm.s32 $_scs_section_size  }
0xa0: {  	s7 =	simm.s32 $_size__tile_overlayer_lowered;
	s8 =	simm.s32 $_tile_overlayer_lowered  }
0xa1: {  	s22 =	simm.s32 $0x1BFF;
	s21 =	sshll.u32 s8, $0x1;
	s5 =	sadd.s32 s6, s19  }
0xa2: {  	s9 =	simm.s32 $0x0;
	s20 =	sshll.u32 s7, $0x1;
	s7 =	sadd.s32 s21, s5  }
0xa3: {  	[timem:s9], [sflag:s22] =	dma.local [hbm:s7], s20  }
0xa4: {  	_ =	swait.ge [sflag:s22], s20  }
0xa5: {  	s6 =	ssub.s32 $0x0, s20;
	[sflag:s22] =	ssyncset.done $0x0  }
0xa6: {  	[sflag:s22] =	ssyncadd.s32 s6;
	_ =	sdelay $0x1  }
0xa7: {  	s23 =	simm.s32 $0x1B8B  }
0xa8: {  	_ =	swait.ge [sflag:s23], $0x1  }
0xa9: {  	[sflag:s23] =	ssyncset.done $0x0  }
0xaa: {  	s25 =	simm.s32 $0x1B8E;
	s24 =	sld [smem:$0x3FFE];
	[sflag:s23] =	ssyncadd.s32 $0xFFFFFFFF  }
0xab: {  	s26 =	simm.s32 $execute0_lowered;
	[smem:$0x3FD2] =	sst s25  }
0xac: {  	s7 =	sshll.u32 s26, $0x1;
	_ =	strace $0x80000046;
	[dreg:$0x1] =	wrdreg $0xFFFFFFFF  }
0xad: {  	s28 =	simm.s32 $_size_execute0_lowered;
	s5 =	sadd.s32 s5, s7;
	[dreg:$0x0] =	wrdreg $0x0  }
0xae: {  	s7 =	sshll.u32 s28, $0x1;
	[dreg:$0x2] =	wrdreg s5  }
0xaf: {  	[dreg:$0x3] =	wrdreg s7  }
0xb0: {  	[dreg:$0x4] =	wrdreg $0xC0  }
0xb1: {  	_ =	task [dreg:s9], $0x5FFFF  }
0xb2: {  	[dreg:$0x1] =	wrdreg $0xFFFFFFFF  }
0xb3: {  	[dreg:$0x0] =	wrdreg $0x60  }
0xb4: {  	[dreg:$0x2] =	wrdreg s17  }
0xb5: {  	[dreg:$0x3] =	wrdreg s16  }
0xb6: {  	[dreg:$0x4] =	wrdreg s24  }
0xb7: {  	[dreg:$0x5] =	wrdreg s18  }
0xb8: {  	[dreg:$0x6] =	wrdreg $0x9  }
0xb9: {  	_ =	task.clear_ibuf [dreg:s9], $0x7FFFF;
	_ =	strace $0x90000046  }
0xba: {  	s29 =	simm.s32 $0x9;
	_ =	strace $0x80000048  }
0xbb: {  	_ =	swait.ge [sflag:s29], $0x1  }
0xbc: {  	[sflag:s29] =	ssyncadd.s32 $0xFFFFFFFF  }
0xbd: {  	_ =	strace $0x90000048  }
0xbe: {  	_ =	sfence  }
0xbf: {  	s30 =	sld [smem:$0x0];
	_ =	sdelay $0x2  }
0xc0: {  	s31 =	sshll.u32 s1, $0xD;
	s1 =	sshrl.u32 s1, $0x2  }
0xc1: {  	s3 =	sand.u32 $0x4000, s31;
	s1 =	sadd.s32 s1, s30  }
0xc2: {  	s0 =	sor.u32 s3, s0;
	s1 =	sshll.u32 s1, $0x11  }
0xc3: {  	s0 =	sor.u32 s1, s0  }
0xc4: {  	s0 =	sadd.s32 $0x8F2B, s0  }
0xc5: {  	[sflag:s0] =	ssyncadd.remote.s32 $0x1  }
0xc6: {  	_ =	sfence.sel $0xFFFF  }
0xc7: {  	[dreg:$0x0] =	wrdreg $0xFFFFFFFF;
	(pc) =	sbr.abs _section_cstart, $3  }
0xc8: {  	[dreg:$0x1] =	wrdreg $0xFFFFFFFF  }
0xc9: {  	_ =	task.clear_ibuf [dreg:s9], $0x2FFFF;
	_ =	strace $0x9FFFFFFF  }
0xca: {  	(tm) =	ssettm $0x7FFFFFFF  }
0xcb: {  	_ =	shalt  }
tec
execute0_lowered:
.L_overlay_start_1:
0x0: {  	(tag) =	ssettag $0x1  }
0x1: {  	s4 =	rddreg [dreg:$0x2];
	s2 =	stileid.u32  }
0x2: {  	s0 =	srdreg.scid;
	s6 =	simm.s32 $0x0;
	s14 =	simm.s32 $0x5  }
0x3: {  	s15 =	simm.s32 $0x2800;
	s16 =	simm.s32 $0x5000;
	s17 =	simm.s32 $0x7800  }
0x4: {  	s18 =	simm.s32 $0x1;
	s19 =	simm.s32 $0xF100;
	s20 =	simm.s32 $0x14100  }
0x5: {  	s28 =	simm.s32 $0xC880;
	s29 =	simm.s32 $0xA000;
	s30 =	simm.s32 $0x0  }
0x6: {  	s31 =	simm.s32 $0x0;
	s0 =	sand.u32 $0x1, s0;
	s1 =	sshll.u32 s2, $0x1  }
0x7: {  	[smem:$0x7FF] =	sst s6;
	s3 =	sadd.s32 $0xC00, s4;
	s21 =	sadd.s32 $0x600, s4  }
0x8: {  	s10 =	sadd.s32 $0x1200, s4;
	_ =	strace $0x80000047;
	[dreg:$0x5] =	wrdreg s3  }
0x9: {  	s22 =	smul.u32 $0xA0000, s2;
	s1 =	sor.u32 s0, s1;
	[dreg:$0x6] =	wrdreg s21  }
0xa: {  	s24 =	ssub.s32 $0x2, s0;
	s0 =	smul.u32 $0x50000, s0;
	s21 =	simm.s32 $0x80  }
0xb: {  	s8 =	smul.u32 $0x140, s1;
	s1 =	sadd.s32 s22, s4;
	s25 =	sshrl.u32 s24, $0x1  }
0xc: {  	s22 =	simm.s32 $0x14280;
	s3 =	ssub.s32 s24, s25;
	s0 =	sadd.s32 s0, s1  }
0xd: {  	v0 =	vlaneseq.u32;
	s24 =	simm.s32 $0x2;
	s23 =	sshrl.u32 s8, $0x3;
	s26 =	smax.u32 s3, $0x1  }
0xe: {  	v1 =	vimm.s32 $0x0;
	v2 =	vimm.f32 $+Inf;
	v3 =	vadd.s32 $0x1, v0;
	s0 =	sadd.s32 $0x29800, s0;
	s2 =	sadd.s32 s23, s4;
	[dreg:$0x8] =	wrdreg s26  }
0xf: {  	v4 =	vor.u32 $0x10, v0;
	v5 =	vadd.s32 $0x11, v0;
	v6 =	vor.u32 $0x20, v0;
	s25 =	simm.s32 $0x3;
	[dreg:$0x9] =	wrdreg s0;
	s2 =	sadd.s32 $0x29200, s2  }
0x10: {  	v7 =	vadd.s32 $0x21, v0;
	v8 =	vadd.s32 $0x31, v0;
	v9 =	vor.u32 $0x30, v0;
	s23 =	simm.s32 $0x18280;
	s26 =	simm.s32 $0x4;
	[dreg:$0x7] =	wrdreg s2  }
.LBB2_1:
0x11: {  	s0 =	rddreg [dreg:$0x0]  }
0x12: {  	[tilespmem:s6], [sflag:$0x5] =	stream.linear.gather [hbm4b:s0+s6], $0x2800, $0x38;
	[tilespmem:$0x1C280] =	vst v63  }
0x13: {  	_ =	swait.ge [sflag:s14], $0x2800  }
0x14: {  	[sflag:s14] =	ssyncset.done $0x0  }
0x15: {  	[sflag:s14] =	ssyncadd.s32 $0xFFFFD800  }
0x16: {  	s12 =	rddreg [dreg:$0x1]  }
0x17: {  	[tilespmem:s15], [sflag:$0x5] =	stream.linear.gather [hbm4b:s12+s6], $0x2800, $0x38;
	[tilespmem:$0x1C280] =	vst v63  }
0x18: {  	_ =	swait.ge [sflag:s14], $0x2800  }
0x19: {  	[sflag:s14] =	ssyncset.done $0x0  }
0x1a: {  	[sflag:s14] =	ssyncadd.s32 $0xFFFFD800  }
0x1b: {  	s13 =	rddreg [dreg:$0x2]  }
0x1c: {  	[tilespmem:s16], [sflag:$0x5] =	stream.linear.gather [hbm4b:s13+s6], $0x2800, $0x38;
	[tilespmem:$0x1C280] =	vst v63  }
0x1d: {  	_ =	swait.ge [sflag:s14], $0x2800  }
0x1e: {  	[sflag:s14] =	ssyncset.done $0x0  }
0x1f: {  	s0 =	simm.s32 $0x0;
	[sflag:s14] =	ssyncadd.s32 $0xFFFFD800  }
0x20: {  	v10 =	vld [tilespmem:s0+$0x30]  }
0x21: {  	v11 =	vld [tilespmem:s0+$0x2830]  }
0x22: {  	v13 =	vld [tilespmem:s0+$0x0]  }
0x23: {  	v12 =	vld [tilespmem:s0+$0x5030]  }
0x24: {  	v15 =	vld [tilespmem:s0+$0x2800]  }
0x25: {  	v16 =	vld [tilespmem:s0+$0x10]  }
0x26: {  	v17 =	vld [tilespmem:s0+$0x2810];
	v10 =	vmul.f32 v10, v10;
	v14 =	vmul.f32 v11, v11  }
0x27: {  	v19 =	vld [tilespmem:s0+$0x20]  }
0x28: {  	v11 =	vld [tilespmem:s0+$0x2820];
	v18 =	vmul.f32 v12, v12;
	v10 =	vadd.f32 v14, v10  }
0x29: {  	v14 =	vld [tilespmem:s0+$0x5000]  }
0x2a: {  	v12 =	vld [tilespmem:s0+$0x5010];
	v20 =	vmul.f32 v13, v13;
	v15 =	vmul.f32 v15, v15;
	v21 =	vadd.f32 v18, v10  }
0x2b: {  	s1 =	simm.s32 $0x40;
	v13 =	vld [tilespmem:s0+$0x5020];
	v16 =	vmul.f32 v16, v16;
	v18 =	vmul.f32 v17, v17  }
0x2c: {  	s2 =	simm.s32 $0x200;
	v15 =	vadd.f32 v15, v20;
	v10 =	vld [tilespmem:s1+$0x30];
	v17 =	vmul.f32 v19, v19;
	[tilespmem:s0+$0x7830] =	vst v21  }
.LBB2_2:
0x2d: {  	p0 =	sne.s32 s2, $0x9F00;
	v19 =	vld [tilespmem:s1+$0x2830];
	v16 =	vadd.f32 v18, v16;
	v11 =	vmul.f32 v11, v11  }
0x2e: {  	v18 =	vld [tilespmem:s1+$0x0];
	v14 =	vmul.f32 v14, v14  }
0x2f: {  	v20 =	vld [tilespmem:s1+$0x5030];
	v12 =	vmul.f32 v12, v12;
	v11 =	vadd.f32 v11, v17  }
0x30: {  	v17 =	vld [tilespmem:s1+$0x2800];
	v14 =	vadd.f32 v14, v15;
	v13 =	vmul.f32 v13, v13  }
0x31: {  	v15 =	vld [tilespmem:s1+$0x10];
	v12 =	vadd.f32 v12, v16  }
0x32: {  	v10 =	vmul.f32 v10, v10;
	v21 =	vld [tilespmem:s1+$0x2810];
	v16 =	vmul.f32 v19, v19;
	[tilespmem:s0+$0x7800] =	vst v14;
	v13 =	vadd.f32 v13, v11  }
0x33: {  	v18 =	vmul.f32 v18, v18;
	v19 =	vld [tilespmem:s1+$0x20];
	[tilespmem:s0+$0x7810] =	vst v12  }
.Ltmp0:
0x34: {  	v11 =	vld [tilespmem:s1+$0x2820];
	v10 =	vadd.f32 v16, v10;
	v20 =	vmul.f32 v20, v20;
	[tilespmem:s0+$0x7820] =	vst v13;
	s0 =	smov.u32 s1;
	(pc) =	sbr.rel @p0 .LBB2_2-.Ltmp0, $4  }
0x35: {  	v14 =	vld [tilespmem:s0+$0x5000];
	v13 =	vmul.f32 v17, v17  }
0x36: {  	v12 =	vld [tilespmem:s0+$0x5010];
	v16 =	vmul.f32 v15, v15;
	v20 =	vadd.f32 v20, v10  }
0x37: {  	s1 =	sshra.s32 s2, $0x2;
	v15 =	vadd.f32 v13, v18;
	v18 =	vmul.f32 v21, v21;
	v13 =	vld [tilespmem:s0+$0x5020]  }
0x38: {  	s2 =	sadd.s32 $0x100, s2;
	v10 =	vld [tilespmem:s1+$0x30];
	v17 =	vmul.f32 v19, v19;
	[tilespmem:s0+$0x7830] =	vst v20  }
0x39: {  	v19 =	vld [tilespmem:s1+$0x2830]  }
0x3a: {  	v20 =	vld [tilespmem:s1+$0x0];
	v11 =	vmul.f32 v11, v11;
	v14 =	vmul.f32 v14, v14  }
0x3b: {  	v21 =	vld [tilespmem:s1+$0x5030];
	v16 =	vadd.f32 v18, v16;
	v12 =	vmul.f32 v12, v12  }
0x3c: {  	v54 =	vld [tilespmem:s1+$0x2800];
	v11 =	vadd.f32 v11, v17;
	v14 =	vadd.f32 v14, v15;
	v13 =	vmul.f32 v13, v13  }
0x3d: {  	v55 =	vld [tilespmem:s1+$0x10];
	v12 =	vadd.f32 v12, v16  }
0x3e: {  	v22 =	vld [tilespmem:s1+$0x2810];
	[tilespmem:s0+$0x7800] =	vst v14;
	v11 =	vadd.f32 v13, v11  }
0x3f: {  	v14 =	vld [tilespmem:s1+$0x20];
	[tilespmem:s0+$0x7810] =	vst v12  }
0x40: {  	v12 =	vld [tilespmem:s1+$0x2820];
	[tilespmem:s0+$0x7820] =	vst v11  }
0x41: {  	v11 =	vld [tilespmem:s1+$0x5000]  }
0x42: {  	v10 =	vmul.f32 v10, v10;
	v56 =	vmul.f32 v19, v19;
	v57 =	vld [tilespmem:s1+$0x5010]  }
0x43: {  	v58 =	vmul.f32 v20, v20;
	v59 =	vmul.f32 v21, v21;
	v60 =	vld [tilespmem:s1+$0x5020]  }
0x44: {  	v18 =	vmul.f32 v54, v54;
	v15 =	vmul.f32 v55, v55  }
0x45: {  	v61 =	vmul.f32 v22, v22;
	v10 =	vadd.f32 v56, v10;
	v14 =	vmul.f32 v14, v14  }
0x46: {  	v17 =	vadd.f32 v18, v58;
	v12 =	vmul.f32 v12, v12;
	v11 =	vmul.f32 v11, v11  }
0x47: {  	v13 =	vadd.f32 v61, v15;
	v10 =	vadd.f32 v59, v10;
	v62 =	vmul.f32 v57, v57  }
0x48: {  	v63 =	vmul.f32 v60, v60;
	v12 =	vadd.f32 v12, v14;
	v11 =	vadd.f32 v11, v17  }
0x49: {  	[tilespmem:s1+$0x7830] =	vst v10;
	v10 =	vadd.f32 v62, v13  }
0x4a: {  	[tilespmem:s1+$0x7800] =	vst v11;
	v11 =	vadd.f32 v63, v12  }
0x4b: {  	[tilespmem:s1+$0x7810] =	vst v10  }
0x4c: {  	s11 =	rddreg [dreg:$0x5];
	[tilespmem:s1+$0x7820] =	vst v11  }
0x4d: {  	[tilespmem:s31], [sflag:$0x5] =	stream.linear.gather [hbm4b:s11+s31], $0x2800, $0x38;
	[tilespmem:$0x1C280] =	vst v63  }
0x4e: {  	_ =	swait.ge [sflag:s14], $0x2800  }
0x4f: {  	[sflag:s14] =	ssyncset.done $0x0  }
0x50: {  	s12 =	rddreg [dreg:$0x6];
	[sflag:s14] =	ssyncadd.s32 $0xFFFFD800  }
0x51: {  	[tilespmem:s15], [sflag:$0x5] =	stream.linear.gather [hbm4b:s12+s31], $0x2800, $0x38;
	[tilespmem:$0x1C280] =	vst v63  }
0x52: {  	_ =	swait.ge [sflag:s14], $0x2800  }
0x53: {  	[sflag:s14] =	ssyncset.done $0x0  }
0x54: {  	[sflag:s14] =	ssyncadd.s32 $0xFFFFD800  }
.Ltmp1:
0x55: {  	s13 =	rddreg [dreg:$0x3];
	(pc) =	sbr.rel .LBB2_4-.Ltmp1, $4  }
0x56: {  	[tilespmem:s16], [sflag:$0x5] =	stream.linear.gather [hbm4b:s13+s31], $0x2800, $0x38;
	[tilespmem:$0x1C280] =	vst v63  }
0x57: {  	_ =	swait.ge [sflag:s14], $0x2800  }
0x58: {  	[sflag:s14] =	ssyncset.done $0x0  }
0x59: {  	s0 =	simm.s32 $0x0;
	[sflag:s14] =	ssyncadd.s32 $0xFFFFD800  }
.LBB2_7:
0x5a: {  	v10 =	vld [tilespmem:$0xC880];
	_ =	sdelay $0x4  }
0x5b: {  	[tilespmem:s1+$0xF100] =	vst v10  }
0x5c: {  	v10 =	vld [tilespmem:$0xC890];
	_ =	sdelay $0x4  }
0x5d: {  	[tilespmem:s1+$0xF110] =	vst v10  }
0x5e: {  	v10 =	vld [tilespmem:$0xC8A0];
	_ =	sdelay $0x4  }
0x5f: {  	[tilespmem:s1+$0xF120] =	vst v10  }
0x60: {  	v10 =	vld [tilespmem:$0xC8B0];
	_ =	sdelay $0x4  }
0x61: {  	[tilespmem:s1+$0xF130] =	vst v10  }
.LBB2_18:
0x62: {  	_ =	sdelay $0x1  }
0x63: {  	v10 =	vmov s2  }
0x64: {  	vm0 =	vlt.s32 v10, v3  }
0x65: {  	v12 =	vld.idx.msk [tilespmem:v11+s19+$0x0], $0xffff;
	v13 =	vor.u32 v0, v11;
	vm1 =	vlt.s32 v10, v5  }
0x66: {  	v14 =	vor.u32 v4, v11;
	vm2 =	vlt.s32 v10, v7  }
0x67: {  	v15 =	vor.u32 v6, v11;
	vm3 =	vlt.s32 v10, v8  }
0x68: {  	v11 =	vor.u32 v9, v11;
	v16 =	vmov s0;
	s0 =	sadd.s32 $0x1, s0  }
0x69: {  	p0 =	sne.s32 s0, $0x140  }
.Ltmp2:
0x6a: {  	[tilespmem:v13+s19+$0x0] =	vst.idx.msk vm0, v12;
	(pc) =	sbr.rel @!p0 .LBB2_19-.Ltmp2, $4  }
0x6b: {  	[tilespmem:v14+s19+$0x0] =	vst.idx.msk vm1, v12  }
0x6c: {  	[tilespmem:v15+s19+$0x0] =	vst.idx.msk vm2, v12  }
0x6d: {  	[tilespmem:v11+s19+$0x0] =	vst.idx.msk vm3, v12  }
0x6e: {  	[tilespmem:v16+s20+$0x0] =	vst.idx.msk $0x1, v10  }
.LBB2_4:
0x6f: {  	s1 =	sadd.s32 s8, s0  }
0x70: {  	v10 =	vmov s1;
	_ =	sdelay $0x1  }
0x71: {  	s2 =	simm.s32 $0x40  }
0x72: {  	s1 =	simm.s32 $0x2840;
	v16 =	vld [tilespmem:s2+$0xFFFFFFC0]  }
0x73: {  	v15 =	vld [tilespmem:s1+$0xFFFFFFC0]  }
0x74: {  	v11 =	vld.idx.msk [tilespmem:v10+s31+$0x0], $0xffff  }
0x75: {  	s3 =	simm.s32 $0x5040;
	v12 =	vld.idx.msk [tilespmem:v10+s15+$0x0], $0xffff  }
0x76: {  	v17 =	vld [tilespmem:s3+$0xFFFFFFC0]  }
0x77: {  	v13 =	vld.idx.msk [tilespmem:v10+s16+$0x0], $0xffff;
	_ =	sdelay $0x1  }
0x78: {  	s4 =	simm.s32 $0x7840  }
0x79: {  	v18 =	vld [tilespmem:s4+$0xFFFFFFC0];
	v16 =	vmul.f32 v16, v11;
	v15 =	vmul.f32 v15, v12  }
0x7a: {  	v14 =	vld.idx.msk [tilespmem:v10+s17+$0x0], $0xffff  }
0x7b: {  	v15 =	vadd.f32 v15, v16;
	v16 =	vmul.f32 v17, v13;
	_ =	sdelay $0x1  }
0x7c: {  	v15 =	vadd.f32 v16, v15;
	_ =	sdelay $0x1  }
0x7d: {  	v16 =	vadd.f32 v18, v14;
	v15 =	vadd.f32 v15, v15;
	_ =	sdelay $0x1  }
0x7e: {  	v15 =	vsub.f32 v16, v15;
	_ =	sdelay $0x1  }
0x7f: {  	vm0 =	vle.f32 v15, $1.439999980e-02  }
0x80: {  	v16 =	vsel vm0, $0x1, v1  }
0x81: {  	(xrf0) =	vadd.scan.msk.s32 $0xffff, v16;
	_ =	sdelay $0x1  }
0x82: {  	s5 =	simm.s32 $0x0  }
0x83: {  	[tilespmem:s31+$0xA000] =	vst.msk vm0, v15;
	v15 =	vor.u32 s5, v0;
	_ =	sdelay $0x1  }
0x84: {  	[tilespmem:s31+$0xC880] =	vst.msk vm0, v15  }
0x85: {  	v16 =	vld [tilespmem:s1+$0xFFFFFFD0];
	v15, _, _ =	vpop (xrf0)  }
0x86: {  	(v2sf) =	vpush v15, $0xF;
	v15 =	vld [tilespmem:s2+$0xFFFFFFD0];
	_ =	sdelay $0x1  }
0x87: {  	v17 =	vld [tilespmem:s3+$0xFFFFFFD0];
	_ =	sdelay $0x2  }
0x88: {  	v16 =	vmul.f32 v16, v12;
	v15 =	vmul.f32 v15, v11  }
0x89: {  	v18 =	vld [tilespmem:s4+$0xFFFFFFD0]  }
0x8a: {  	v17 =	vmul.f32 v17, v13;
	v15 =	vadd.f32 v16, v15;
	_ =	sdelay $0x1  }
0x8b: {  	v15 =	vadd.f32 v17, v15;
	_ =	sdelay $0x1  }
0x8c: {  	v16 =	vadd.f32 v18, v14;
	v15 =	vadd.f32 v15, v15;
	_ =	sdelay $0x1  }
0x8d: {  	v15 =	vsub.f32 v16, v15;
	_ =	sdelay $0x1  }
0x8e: {  	vm9 =	vle.f32 v15, $1.439999980e-02  }
0x8f: {  	s7 =	spop (v2sf);
	v16 =	vsel vm9, $0x1, v1  }
0x90: {  	s5 =	sadd.s32 $0x0, s7;
	s7 =	simm.s32 $0x10;
	(xrf0) =	vadd.scan.msk.s32 $0xffff, v16  }
0x91: {  	[tilespmem:s5+$0xA000] =	vst.msk vm9, v15;
	v15 =	vor.u32 s7, v0  }
0x92: {  	[tilespmem:s5+$0xC880] =	vst.msk vm9, v15  }
0x93: {  	v15 =	vld [tilespmem:s2+$0xFFFFFFE0]  }
0x94: {  	v16 =	vld [tilespmem:s1+$0xFFFFFFE0];
	_ =	sdelay $0x1  }
0x95: {  	v17 =	vld [tilespmem:s3+$0xFFFFFFE0];
	v18, _, _ =	vpop (xrf0)  }
0x96: {  	(v2sf) =	vpush v18, $0xF;
	_ =	sdelay $0x1  }
0x97: {  	v15 =	vmul.f32 v15, v11;
	v16 =	vmul.f32 v16, v12  }
0x98: {  	v18 =	vld [tilespmem:s4+$0xFFFFFFE0]  }
0x99: {  	v15 =	vadd.f32 v16, v15;
	v16 =	vmul.f32 v17, v13;
	_ =	sdelay $0x1  }
0x9a: {  	v15 =	vadd.f32 v16, v15;
	_ =	sdelay $0x1  }
0x9b: {  	v16 =	vadd.f32 v18, v14;
	v15 =	vadd.f32 v15, v15;
	_ =	sdelay $0x1  }
0x9c: {  	v15 =	vsub.f32 v16, v15;
	_ =	sdelay $0x1  }
0x9d: {  	vm10 =	vle.f32 v15, $1.439999980e-02  }
0x9e: {  	v16 =	vsel vm10, $0x1, v1  }
0x9f: {  	(xrf0) =	vadd.scan.msk.s32 $0xffff, v16  }
0xa0: {  	s9 =	spop (v2sf)  }
0xa1: {  	s11 =	simm.s32 $0x20;
	s5 =	sadd.s32 s5, s9  }
0xa2: {  	[tilespmem:s5+$0xA000] =	vst.msk vm10, v15;
	v15 =	vor.u32 s11, v0;
	_ =	sdelay $0x1  }
0xa3: {  	[tilespmem:s5+$0xC880] =	vst.msk vm10, v15  }
0xa4: {  	v16 =	vld [tilespmem:s2+$0xFFFFFFF0];
	v15, _, _ =	vpop (xrf0)  }
0xa5: {  	(v2sf) =	vpush v15, $0xF;
	v15 =	vld [tilespmem:s1+$0xFFFFFFF0];
	_ =	sdelay $0x1  }
0xa6: {  	v17 =	vld [tilespmem:s3+$0xFFFFFFF0];
	_ =	sdelay $0x2  }
0xa7: {  	v16 =	vmul.f32 v16, v11;
	v15 =	vmul.f32 v15, v12  }
0xa8: {  	v18 =	vld [tilespmem:s4+$0xFFFFFFF0]  }
0xa9: {  	v15 =	vadd.f32 v15, v16;
	v16 =	vmul.f32 v17, v13;
	_ =	sdelay $0x1  }
0xaa: {  	v15 =	vadd.f32 v16, v15;
	_ =	sdelay $0x1  }
0xab: {  	v16 =	vadd.f32 v18, v14;
	v15 =	vadd.f32 v15, v15;
	_ =	sdelay $0x1  }
0xac: {  	v15 =	vsub.f32 v16, v15;
	_ =	sdelay $0x1  }
0xad: {  	vm11 =	vle.f32 v15, $1.439999980e-02  }
0xae: {  	s12 =	spop (v2sf);
	v16 =	vsel vm11, $0x1, v1  }
0xaf: {  	s13 =	simm.s32 $0x30;
	s5 =	sadd.s32 s5, s12;
	(xrf0) =	vadd.scan.msk.s32 $0xffff, v16  }
0xb0: {  	[tilespmem:s5+$0xA000] =	vst.msk vm11, v15;
	v15 =	vor.u32 s13, v0  }
0xb1: {  	[tilespmem:s5+$0xC880] =	vst.msk vm11, v15  }
0xb2: {  	v15 =	vld [tilespmem:s2+$0x0]  }
0xb3: {  	v16 =	vld [tilespmem:s1+$0x0];
	_ =	sdelay $0x1  }
0xb4: {  	v17 =	vld [tilespmem:s3+$0x0];
	v18, _, _ =	vpop (xrf0)  }
0xb5: {  	(v2sf) =	vpush v18, $0xF;
	_ =	sdelay $0x1  }
0xb6: {  	v15 =	vmul.f32 v15, v11;
	v16 =	vmul.f32 v16, v12  }
0xb7: {  	v18 =	vld [tilespmem:s4+$0x0]  }
0xb8: {  	v15 =	vadd.f32 v16, v15;
	v16 =	vmul.f32 v17, v13;
	_ =	sdelay $0x1  }
0xb9: {  	v15 =	vadd.f32 v16, v15;
	_ =	sdelay $0x1  }
0xba: {  	v16 =	vadd.f32 v18, v14;
	v15 =	vadd.f32 v15, v15;
	_ =	sdelay $0x1  }
0xbb: {  	v15 =	vsub.f32 v16, v15;
	_ =	sdelay $0x1  }
0xbc: {  	vm12 =	vle.f32 v15, $1.439999980e-02  }
0xbd: {  	v16 =	vsel vm12, $0x1, v1  }
0xbe: {  	(xrf0) =	vadd.scan.msk.s32 $0xffff, v16  }
0xbf: {  	s9 =	spop (v2sf)  }
0xc0: {  	s11 =	simm.s32 $0x40;
	s5 =	sadd.s32 s5, s9  }
0xc1: {  	[tilespmem:s5+$0xA000] =	vst.msk vm12, v15;
	v15 =	vor.u32 s11, v0;
	_ =	sdelay $0x1  }
0xc2: {  	[tilespmem:s5+$0xC880] =	vst.msk vm12, v15  }
0xc3: {  	v16 =	vld [tilespmem:s2+$0x10];
	v15, _, _ =	vpop (xrf0)  }
0xc4: {  	(v2sf) =	vpush v15, $0xF;
	v15 =	vld [tilespmem:s1+$0x10];
	_ =	sdelay $0x1  }
0xc5: {  	v17 =	vld [tilespmem:s3+$0x10];
	_ =	sdelay $0x2  }
0xc6: {  	v16 =	vmul.f32 v16, v11;
	v15 =	vmul.f32 v15, v12  }
0xc7: {  	v18 =	vld [tilespmem:s4+$0x10]  }
0xc8: {  	v15 =	vadd.f32 v15, v16;
	v16 =	vmul.f32 v17, v13;
	_ =	sdelay $0x1  }
0xc9: {  	v15 =	vadd.f32 v16, v15;
	_ =	sdelay $0x1  }
0xca: {  	v16 =	vadd.f32 v18, v14;
	v15 =	vadd.f32 v15, v15;
	_ =	sdelay $0x1  }
0xcb: {  	v15 =	vsub.f32 v16, v15;
	_ =	sdelay $0x1  }
0xcc: {  	vm13 =	vle.f32 v15, $1.439999980e-02  }
0xcd: {  	s12 =	spop (v2sf);
	v16 =	vsel vm13, $0x1, v1  }
0xce: {  	s13 =	simm.s32 $0x50;
	s5 =	sadd.s32 s5, s12;
	(xrf0) =	vadd.scan.msk.s32 $0xffff, v16  }
0xcf: {  	[tilespmem:s5+$0xA000] =	vst.msk vm13, v15;
	v15 =	vor.u32 s13, v0  }
0xd0: {  	[tilespmem:s5+$0xC880] =	vst.msk vm13, v15  }
0xd1: {  	v15 =	vld [tilespmem:s1+$0x20]  }
0xd2: {  	v16 =	vld [tilespmem:s2+$0x20];
	_ =	sdelay $0x1  }
0xd3: {  	v17 =	vld [tilespmem:s3+$0x20];
	v18, _, _ =	vpop (xrf0)  }
0xd4: {  	(v2sf) =	vpush v18, $0xF;
	_ =	sdelay $0x1  }
0xd5: {  	v16 =	vmul.f32 v16, v11;
	v15 =	vmul.f32 v15, v12  }
0xd6: {  	v18 =	vld [tilespmem:s4+$0x20]  }
0xd7: {  	v15 =	vadd.f32 v15, v16;
	v16 =	vmul.f32 v17, v13;
	_ =	sdelay $0x1  }
0xd8: {  	v15 =	vadd.f32 v16, v15;
	_ =	sdelay $0x1  }
0xd9: {  	v16 =	vadd.f32 v18, v14;
	v15 =	vadd.f32 v15, v15;
	_ =	sdelay $0x1  }
0xda: {  	v15 =	vsub.f32 v16, v15;
	_ =	sdelay $0x1  }
0xdb: {  	vm14 =	vle.f32 v15, $1.439999980e-02  }
0xdc: {  	v16 =	vsel vm14, $0x1, v1  }
0xdd: {  	(xrf0) =	vadd.scan.msk.s32 $0xffff, v16  }
0xde: {  	s9 =	spop (v2sf)  }
0xdf: {  	s11 =	simm.s32 $0x60;
	s5 =	sadd.s32 s5, s9  }
0xe0: {  	[tilespmem:s5+$0xA000] =	vst.msk vm14, v15;
	v15 =	vor.u32 s11, v0;
	_ =	sdelay $0x2  }
0xe1: {  	[tilespmem:s5+$0xC880] =	vst.msk vm14, v15;
	v15, _, _ =	vpop (xrf0)  }
0xe2: {  	v16 =	vld [tilespmem:s2+$0x30];
	(v2sf) =	vpush v15, $0xF  }
0xe3: {  	v15 =	vld [tilespmem:s1+$0x30];
	_ =	sdelay $0x1  }
0xe4: {  	v17 =	vld [tilespmem:s3+$0x30];
	_ =	sdelay $0x2  }
0xe5: {  	v16 =	vmul.f32 v16, v11;
	v15 =	vmul.f32 v15, v12  }
0xe6: {  	v18 =	vld [tilespmem:s4+$0x30]  }
0xe7: {  	v15 =	vadd.f32 v15, v16;
	v16 =	vmul.f32 v17, v13;
	_ =	sdelay $0x1  }
0xe8: {  	v15 =	vadd.f32 v16, v15;
	_ =	sdelay $0x1  }
0xe9: {  	v16 =	vadd.f32 v18, v14;
	v15 =	vadd.f32 v15, v15;
	_ =	sdelay $0x1  }
0xea: {  	v15 =	vsub.f32 v16, v15  }
0xeb: {  	s12 =	spop (v2sf)  }
0xec: {  	s13 =	simm.s32 $0x70;
	vm15 =	vle.f32 v15, $1.439999980e-02;
	s11 =	sadd.s32 s5, s12  }
0xed: {  	[tilespmem:s11+$0xA000] =	vst.msk vm15, v15;
	v15 =	vor.u32 s13, v0  }
0xee: {  	s1 =	simm.s32 $0x28C0;
	[tilespmem:s11+$0xC880] =	vst.msk vm15, v15  }
0xef: {  	v15 =	vld [tilespmem:s1+$0xFFFFFFC0]  }
0xf0: {  	s3 =	simm.s32 $0xC0  }
0xf1: {  	v17 =	vsel vm15, $0x1, v1;
	v16 =	vld [tilespmem:s3+$0xFFFFFFC0]  }
0xf2: {  	(xrf0) =	vadd.scan.msk.s32 $0xffff, v17;
	_ =	sdelay $0x1  }
0xf3: {  	v15 =	vmul.f32 v15, v12;
	_ =	sdelay $0x1  }
0xf4: {  	v16 =	vmul.f32 v16, v11;
	_ =	sdelay $0x1  }
0xf5: {  	v16 =	vadd.f32 v15, v16;
	v15, _, _ =	vpop (xrf0)  }
0xf6: {  	(v2sf) =	vpush v15, $0xF;
	_ =	sdelay $0x1  }
0xf7: {  	s5 =	simm.s32 $0x50C0  }
0xf8: {  	v17 =	vld [tilespmem:s5+$0xFFFFFFC0];
	_ =	sdelay $0x2  }
0xf9: {  	s4 =	simm.s32 $0x78C0  }
0xfa: {  	v15 =	vld [tilespmem:s4+$0xFFFFFFC0]  }
0xfb: {  	v17 =	vmul.f32 v17, v13;
	_ =	sdelay $0x1  }
0xfc: {  	s7 =	simm.s32 $0x170;
	s2 =	simm.s32 $0xF0;
	v16 =	vadd.f32 v17, v16  }
.LBB2_5:
0xfd: {  	p0 =	sne.s32 s7, $0x27F0;
	s9 =	smov.u32 s7;
	s7 =	sadd.s32 $0x80, s7  }
0xfe: {  	v15 =	vadd.f32 v15, v14;
	v16 =	vadd.f32 v16, v16;
	_ =	sdelay $0x1  }
0xff: {  	v15 =	vsub.f32 v15, v16  }
0x100: {  	s12 =	spop (v2sf)  }
0x101: {  	s13 =	sadd.s32 $0xFFFFFF90, s2;
	vm0 =	vle.f32 v15, $1.439999980e-02;
	s11 =	sadd.s32 s11, s12  }
0x102: {  	[tilespmem:s11+$0xA000] =	vst.msk vm0, v15;
	v15 =	vor.u32 s13, v0;
	v16 =	vsel vm0, $0x1, v1  }
0x103: {  	[tilespmem:s11+$0xC880] =	vst.msk vm0, v15;
	(xrf0) =	vadd.scan.msk.s32 $0xffff, v16  }
0x104: {  	v15 =	vld [tilespmem:s1+$0xFFFFFFD0]  }
0x105: {  	v16 =	vld [tilespmem:s3+$0xFFFFFFD0]  }
0x106: {  	v17 =	vld [tilespmem:s5+$0xFFFFFFD0];
	_ =	sdelay $0x2  }
0x107: {  	v15 =	vmul.f32 v15, v12;
	v18, _, _ =	vpop (xrf0)  }
0x108: {  	v16 =	vmul.f32 v16, v11;
	v19 =	vld [tilespmem:s4+$0xFFFFFFD0];
	(v2sf) =	vpush v18, $0xF  }
0x109: {  	v17 =	vmul.f32 v17, v13  }
0x10a: {  	v15 =	vadd.f32 v15, v16;
	_ =	sdelay $0x1  }
0x10b: {  	v15 =	vadd.f32 v17, v15  }
0x10c: {  	v16 =	vadd.f32 v19, v14  }
0x10d: {  	v15 =	vadd.f32 v15, v15;
	_ =	sdelay $0x1  }
0x10e: {  	v15 =	vsub.f32 v16, v15;
	_ =	sdelay $0x1  }
0x10f: {  	vm0 =	vle.f32 v15, $1.439999980e-02  }
0x110: {  	v16 =	vsel vm0, $0x1, v1  }
0x111: {  	(xrf0) =	vadd.scan.msk.s32 $0xffff, v16;
	_ =	sdelay $0x2  }
0x112: {  	s12 =	spop (v2sf)  }
0x113: {  	s11 =	sadd.s32 s11, s12;
	s12 =	sadd.s32 $0xFFFFFFA0, s2  }
0x114: {  	[tilespmem:s11+$0xA000] =	vst.msk vm0, v15;
	v16 =	vor.u32 s12, v0  }
0x115: {  	[tilespmem:s11+$0xC880] =	vst.msk vm0, v16;
	v15, _, _ =	vpop (xrf0)  }
0x116: {  	v16 =	vld [tilespmem:s3+$0xFFFFFFE0];
	(v2sf) =	vpush v15, $0xF  }
0x117: {  	v15 =	vld [tilespmem:s1+$0xFFFFFFE0];
	_ =	sdelay $0x1  }
0x118: {  	v17 =	vld [tilespmem:s5+$0xFFFFFFE0];
	_ =	sdelay $0x2  }
0x119: {  	v16 =	vmul.f32 v16, v11;
	v15 =	vmul.f32 v15, v12  }
0x11a: {  	v18 =	vld [tilespmem:s4+$0xFFFFFFE0]  }
0x11b: {  	v15 =	vadd.f32 v15, v16;
	v16 =	vmul.f32 v17, v13;
	_ =	sdelay $0x1  }
0x11c: {  	v15 =	vadd.f32 v16, v15;
	_ =	sdelay $0x1  }
0x11d: {  	v16 =	vadd.f32 v18, v14;
	v15 =	vadd.f32 v15, v15;
	_ =	sdelay $0x1  }
0x11e: {  	v15 =	vsub.f32 v16, v15  }
0x11f: {  	s12 =	spop (v2sf)  }
0x120: {  	s11 =	sadd.s32 s11, s12;
	s12 =	sadd.s32 $0xFFFFFFB0, s2;
	vm0 =	vle.f32 v15, $1.439999980e-02  }
0x121: {  	[tilespmem:s11+$0xA000] =	vst.msk vm0, v15;
	v15 =	vor.u32 s12, v0;
	v16 =	vsel vm0, $0x1, v1  }
0x122: {  	[tilespmem:s11+$0xC880] =	vst.msk vm0, v15;
	(xrf0) =	vadd.scan.msk.s32 $0xffff, v16  }
0x123: {  	v15 =	vld [tilespmem:s3+$0xFFFFFFF0]  }
0x124: {  	v16 =	vld [tilespmem:s5+$0xFFFFFFF0]  }
0x125: {  	v17 =	vld [tilespmem:s1+$0xFFFFFFF0];
	_ =	sdelay $0x2  }
0x126: {  	v18, _, _ =	vpop (xrf0)  }
0x127: {  	(v2sf) =	vpush v18, $0xF  }
0x128: {  	v15 =	vmul.f32 v15, v11;
	v17 =	vmul.f32 v17, v12  }
0x129: {  	v18 =	vld [tilespmem:s4+$0xFFFFFFF0]  }
0x12a: {  	v16 =	vmul.f32 v16, v13;
	v15 =	vadd.f32 v17, v15;
	_ =	sdelay $0x1  }
0x12b: {  	v15 =	vadd.f32 v16, v15;
	_ =	sdelay $0x1  }
0x12c: {  	v16 =	vadd.f32 v18, v14;
	v15 =	vadd.f32 v15, v15;
	_ =	sdelay $0x1  }
0x12d: {  	v15 =	vsub.f32 v16, v15;
	_ =	sdelay $0x1  }
0x12e: {  	vm0 =	vle.f32 v15, $1.439999980e-02  }
0x12f: {  	v16 =	vsel vm0, $0x1, v1  }
0x130: {  	(xrf0) =	vadd.scan.msk.s32 $0xffff, v16;
	_ =	sdelay $0x1  }
0x131: {  	s12 =	spop (v2sf)  }
0x132: {  	s11 =	sadd.s32 s11, s12;
	s12 =	sadd.s32 $0xFFFFFFC0, s2  }
0x133: {  	[tilespmem:s11+$0xA000] =	vst.msk vm0, v15;
	v15 =	vor.u32 s12, v0  }
0x134: {  	[tilespmem:s11+$0xC880] =	vst.msk vm0, v15  }
0x135: {  	v15 =	vld [tilespmem:s3+$0x0];
	v16, _, _ =	vpop (xrf0)  }
0x136: {  	v17 =	vld [tilespmem:s1+$0x0];
	(v2sf) =	vpush v16, $0xF;
	_ =	sdelay $0x1  }
0x137: {  	v16 =	vld [tilespmem:s5+$0x0];
	_ =	sdelay $0x1  }
0x138: {  	v15 =	vmul.f32 v15, v11  }
0x139: {  	v17 =	vmul.f32 v17, v12;
	_ =	sdelay $0x1  }
0x13a: {  	v15 =	vadd.f32 v17, v15;
	v16 =	vmul.f32 v16, v13;
	v17 =	vld [tilespmem:s4+$0x0];
	_ =	sdelay $0x1  }
0x13b: {  	v15 =	vadd.f32 v16, v15;
	_ =	sdelay $0x1  }
0x13c: {  	v15 =	vadd.f32 v15, v15  }
0x13d: {  	v16 =	vadd.f32 v17, v14;
	_ =	sdelay $0x1  }
0x13e: {  	v15 =	vsub.f32 v16, v15  }
0x13f: {  	s12 =	spop (v2sf)  }
0x140: {  	s11 =	sadd.s32 s11, s12;
	s12 =	sadd.s32 $0xFFFFFFD0, s2;
	vm0 =	vle.f32 v15, $1.439999980e-02  }
0x141: {  	[tilespmem:s11+$0xA000] =	vst.msk vm0, v15;
	v15 =	vor.u32 s12, v0;
	v16 =	vsel vm0, $0x1, v1  }
0x142: {  	[tilespmem:s11+$0xC880] =	vst.msk vm0, v15;
	(xrf0) =	vadd.scan.msk.s32 $0xffff, v16  }
0x143: {  	v15 =	vld [tilespmem:s3+$0x10]  }
0x144: {  	v16 =	vld [tilespmem:s1+$0x10]  }
0x145: {  	v17 =	vld [tilespmem:s5+$0x10]  }
0x146: {  	v18 =	vld [tilespmem:s4+$0x10];
	_ =	sdelay $0x1  }
0x147: {  	v19, _, _ =	vpop (xrf0)  }
0x148: {  	v15 =	vmul.f32 v15, v11;
	v16 =	vmul.f32 v16, v12;
	(v2sf) =	vpush v19, $0xF;
	_ =	sdelay $0x1  }
0x149: {  	v15 =	vadd.f32 v16, v15;
	v16 =	vmul.f32 v17, v13;
	_ =	sdelay $0x1  }
0x14a: {  	v15 =	vadd.f32 v16, v15;
	_ =	sdelay $0x1  }
0x14b: {  	v16 =	vadd.f32 v18, v14;
	v15 =	vadd.f32 v15, v15;
	_ =	sdelay $0x1  }
0x14c: {  	v15 =	vsub.f32 v16, v15;
	_ =	sdelay $0x1  }
0x14d: {  	vm0 =	vle.f32 v15, $1.439999980e-02  }
0x14e: {  	v16 =	vsel vm0, $0x1, v1  }
0x14f: {  	(xrf0) =	vadd.scan.msk.s32 $0xffff, v16;
	_ =	sdelay $0x2  }
0x150: {  	s12 =	spop (v2sf)  }
0x151: {  	s11 =	sadd.s32 s11, s12;
	s12 =	sadd.s32 $0xFFFFFFE0, s2  }
0x152: {  	[tilespmem:s11+$0xA000] =	vst.msk vm0, v15;
	v16 =	vor.u32 s12, v0  }
0x153: {  	[tilespmem:s11+$0xC880] =	vst.msk vm0, v16;
	v15, _, _ =	vpop (xrf0)  }
0x154: {  	v16 =	vld [tilespmem:s1+$0x20];
	(v2sf) =	vpush v15, $0xF  }
0x155: {  	v15 =	vld [tilespmem:s3+$0x20]  }
0x156: {  	v17 =	vld [tilespmem:s5+$0x20]  }
0x157: {  	v18 =	vld [tilespmem:s4+$0x20];
	_ =	sdelay $0x2  }
0x158: {  	v16 =	vmul.f32 v16, v12;
	v15 =	vmul.f32 v15, v11;
	_ =	sdelay $0x1  }
0x159: {  	v15 =	vadd.f32 v16, v15;
	v16 =	vmul.f32 v17, v13;
	_ =	sdelay $0x1  }
0x15a: {  	v15 =	vadd.f32 v16, v15;
	_ =	sdelay $0x1  }
0x15b: {  	v16 =	vadd.f32 v18, v14;
	v15 =	vadd.f32 v15, v15;
	_ =	sdelay $0x1  }
0x15c: {  	v15 =	vsub.f32 v16, v15  }
0x15d: {  	s12 =	spop (v2sf)  }
0x15e: {  	s11 =	sadd.s32 s11, s12;
	s12 =	sadd.s32 $0xFFFFFFF0, s2;
	vm0 =	vle.f32 v15, $1.439999980e-02  }
0x15f: {  	[tilespmem:s11+$0xA000] =	vst.msk vm0, v15;
	v15 =	vor.u32 s12, v0;
	v16 =	vsel vm0, $0x1, v1  }
0x160: {  	[tilespmem:s11+$0xC880] =	vst.msk vm0, v15;
	(xrf0) =	vadd.scan.msk.s32 $0xffff, v16  }
0x161: {  	v15 =	vld [tilespmem:s3+$0x30]  }
0x162: {  	v16 =	vld [tilespmem:s1+$0x30]  }
0x163: {  	v17 =	vld [tilespmem:s5+$0x30]  }
0x164: {  	v18 =	vld [tilespmem:s4+$0x30];
	_ =	sdelay $0x1  }
0x165: {  	v15 =	vmul.f32 v15, v11;
	v19, _, _ =	vpop (xrf0)  }
0x166: {  	v16 =	vmul.f32 v16, v12;
	(v2sf) =	vpush v19, $0xF;
	_ =	sdelay $0x1  }
0x167: {  	v15 =	vadd.f32 v16, v15;
	v16 =	vmul.f32 v17, v13;
	_ =	sdelay $0x1  }
0x168: {  	v15 =	vadd.f32 v16, v15;
	_ =	sdelay $0x1  }
0x169: {  	v16 =	vadd.f32 v18, v14;
	v15 =	vadd.f32 v15, v15;
	_ =	sdelay $0x1  }
0x16a: {  	v15 =	vsub.f32 v16, v15;
	_ =	sdelay $0x1  }
0x16b: {  	vm0 =	vle.f32 v15, $1.439999980e-02  }
0x16c: {  	v16 =	vsel vm0, $0x1, v1  }
0x16d: {  	(xrf0) =	vadd.scan.msk.s32 $0xffff, v16;
	_ =	sdelay $0x2  }
0x16e: {  	s12 =	spop (v2sf)  }
0x16f: {  	s11 =	sadd.s32 s11, s12  }
0x170: {  	v16 =	vor.u32 s2, v0;
	s2 =	smov.u32 s9;
	[tilespmem:s11+$0xA000] =	vst.msk vm0, v15  }
0x171: {  	s1 =	sadd.s32 $0x80, s1;
	[tilespmem:s11+$0xC880] =	vst.msk vm0, v16;
	v15, _, _ =	vpop (xrf0)  }
0x172: {  	s3 =	sadd.s32 $0x80, s3;
	v16 =	vld [tilespmem:s1+$0xFFFFFFC0];
	(v2sf) =	vpush v15, $0xF  }
0x173: {  	v15 =	vld [tilespmem:s3+$0xFFFFFFC0]  }
0x174: {  	s5 =	sadd.s32 $0x80, s5  }
0x175: {  	v17 =	vld [tilespmem:s5+$0xFFFFFFC0];
	_ =	sdelay $0x2  }
.Ltmp3:
0x176: {  	s4 =	sadd.s32 $0x80, s4;
	v16 =	vmul.f32 v16, v12;
	v18 =	vmul.f32 v15, v11;
	(pc) =	sbr.rel @p0 .LBB2_5-.Ltmp3, $3  }
0x177: {  	v15 =	vld [tilespmem:s4+$0xFFFFFFC0]  }
0x178: {  	v16 =	vadd.f32 v16, v18;
	v17 =	vmul.f32 v17, v13;
	_ =	sdelay $0x1  }
0x179: {  	v16 =	vadd.f32 v17, v16  }
0x17a: {  	_ = 	snop  }
0x17b: {  	v15 =	vadd.f32 v15, v14;
	v16 =	vadd.f32 v16, v16;
	_ =	sdelay $0x1  }
0x17c: {  	v15 =	vsub.f32 v15, v16  }
0x17d: {  	s7 =	spop (v2sf)  }
0x17e: {  	s9 =	sadd.s32 $0xFFFFFF90, s2;
	vm0 =	vle.f32 v15, $1.439999980e-02;
	s7 =	sadd.s32 s11, s7  }
0x17f: {  	v52 =	vor.u32 s9, v0;
	[tilespmem:s7+$0xA000] =	vst.msk vm0, v15;
	v53 =	vsel vm0, $0x1, v1  }
0x180: {  	[tilespmem:s7+$0xC880] =	vst.msk vm0, v52;
	(xrf0) =	vadd.scan.msk.s32 $0xffff, v53  }
0x181: {  	v15 =	vld [tilespmem:s1+$0xFFFFFFD0]  }
0x182: {  	v54 =	vld [tilespmem:s3+$0xFFFFFFD0];
	_ =	sdelay $0x1  }
0x183: {  	v17 =	vld [tilespmem:s5+$0xFFFFFFD0];
	_ =	sdelay $0x1  }
0x184: {  	v18, _, _ =	vpop (xrf0)  }
0x185: {  	v15 =	vmul.f32 v15, v12;
	v16 =	vmul.f32 v54, v11;
	(v2sf) =	vpush v18, $0xF  }
0x186: {  	v55 =	vld [tilespmem:s4+$0xFFFFFFD0]  }
0x187: {  	v17 =	vmul.f32 v17, v13;
	v15 =	vadd.f32 v15, v16;
	_ =	sdelay $0x1  }
0x188: {  	v15 =	vadd.f32 v17, v15;
	_ =	sdelay $0x1  }
0x189: {  	v56 =	vadd.f32 v55, v14;
	v15 =	vadd.f32 v15, v15;
	_ =	sdelay $0x1  }
0x18a: {  	v15 =	vsub.f32 v56, v15;
	_ =	sdelay $0x1  }
0x18b: {  	vm9 =	vle.f32 v15, $1.439999980e-02  }
0x18c: {  	v57 =	vsel vm9, $0x1, v1  }
0x18d: {  	(xrf0) =	vadd.scan.msk.s32 $0xffff, v57;
	_ =	sdelay $0x2  }
0x18e: {  	s11 =	spop (v2sf)  }
0x18f: {  	s12 =	sadd.s32 $0xFFFFFFA0, s2;
	s7 =	sadd.s32 s7, s11  }
0x190: {  	v58 =	vor.u32 s12, v0;
	[tilespmem:s7+$0xA000] =	vst.msk vm9, v15  }
0x191: {  	v59, _, _ =	vpop (xrf0);
	[tilespmem:s7+$0xC880] =	vst.msk vm9, v58  }
0x192: {  	(v2sf) =	vpush v59, $0xF;
	v60 =	vld [tilespmem:s3+$0xFFFFFFE0]  }
0x193: {  	v61 =	vld [tilespmem:s1+$0xFFFFFFE0];
	_ =	sdelay $0x1  }
0x194: {  	v62 =	vld [tilespmem:s5+$0xFFFFFFE0];
	_ =	sdelay $0x2  }
0x195: {  	v16 =	vmul.f32 v60, v11;
	v15 =	vmul.f32 v61, v12  }
0x196: {  	v63 =	vld [tilespmem:s4+$0xFFFFFFE0]  }
0x197: {  	v20 =	vmul.f32 v62, v13;
	v15 =	vadd.f32 v15, v16;
	_ =	sdelay $0x1  }
0x198: {  	v15 =	vadd.f32 v20, v15;
	_ =	sdelay $0x1  }
0x199: {  	v21 =	vadd.f32 v63, v14;
	v15 =	vadd.f32 v15, v15;
	_ =	sdelay $0x1  }
0x19a: {  	v15 =	vsub.f32 v21, v15  }
0x19b: {  	s13 =	spop (v2sf)  }
0x19c: {  	s11 =	sadd.s32 $0xFFFFFFB0, s2;
	s7 =	sadd.s32 s7, s13;
	vm10 =	vle.f32 v15, $1.439999980e-02  }
0x19d: {  	v22 =	vor.u32 s11, v0;
	[tilespmem:s7+$0xA000] =	vst.msk vm10, v15;
	v23 =	vsel vm10, $0x1, v1  }
0x19e: {  	[tilespmem:s7+$0xC880] =	vst.msk vm10, v22;
	(xrf0) =	vadd.scan.msk.s32 $0xffff, v23  }
0x19f: {  	v15 =	vld [tilespmem:s3+$0xFFFFFFF0]  }
0x1a0: {  	v24 =	vld [tilespmem:s1+$0xFFFFFFF0];
	_ =	sdelay $0x1  }
0x1a1: {  	v25 =	vld [tilespmem:s5+$0xFFFFFFF0];
	_ =	sdelay $0x1  }
0x1a2: {  	v26, _, _ =	vpop (xrf0)  }
0x1a3: {  	v15 =	vmul.f32 v15, v11;
	v16 =	vmul.f32 v24, v12;
	(v2sf) =	vpush v26, $0xF  }
0x1a4: {  	v27 =	vld [tilespmem:s4+$0xFFFFFFF0]  }
0x1a5: {  	v28 =	vmul.f32 v25, v13;
	v15 =	vadd.f32 v16, v15;
	_ =	sdelay $0x1  }
0x1a6: {  	v15 =	vadd.f32 v28, v15;
	_ =	sdelay $0x1  }
0x1a7: {  	v29 =	vadd.f32 v27, v14;
	v15 =	vadd.f32 v15, v15;
	_ =	sdelay $0x1  }
0x1a8: {  	v15 =	vsub.f32 v29, v15;
	_ =	sdelay $0x1  }
0x1a9: {  	vm11 =	vle.f32 v15, $1.439999980e-02  }
0x1aa: {  	v30 =	vsel vm11, $0x1, v1  }
0x1ab: {  	(xrf0) =	vadd.scan.msk.s32 $0xffff, v30;
	_ =	sdelay $0x2  }
0x1ac: {  	s12 =	spop (v2sf)  }
0x1ad: {  	s13 =	sadd.s32 $0xFFFFFFC0, s2;
	s7 =	sadd.s32 s7, s12  }
0x1ae: {  	v31 =	vor.u32 s13, v0;
	[tilespmem:s7+$0xA000] =	vst.msk vm11, v15  }
0x1af: {  	v32, _, _ =	vpop (xrf0);
	[tilespmem:s7+$0xC880] =	vst.msk vm11, v31  }
0x1b0: {  	(v2sf) =	vpush v32, $0xF;
	v33 =	vld [tilespmem:s3+$0x0]  }
0x1b1: {  	v34 =	vld [tilespmem:s1+$0x0];
	_ =	sdelay $0x1  }
0x1b2: {  	v35 =	vld [tilespmem:s5+$0x0];
	_ =	sdelay $0x2  }
0x1b3: {  	v16 =	vmul.f32 v33, v11;
	v15 =	vmul.f32 v34, v12  }
0x1b4: {  	v36 =	vld [tilespmem:s4+$0x0]  }
0x1b5: {  	v37 =	vmul.f32 v35, v13;
	v15 =	vadd.f32 v15, v16;
	_ =	sdelay $0x1  }
0x1b6: {  	v15 =	vadd.f32 v37, v15;
	_ =	sdelay $0x1  }
0x1b7: {  	v38 =	vadd.f32 v36, v14;
	v15 =	vadd.f32 v15, v15;
	_ =	sdelay $0x1  }
0x1b8: {  	v15 =	vsub.f32 v38, v15  }
0x1b9: {  	s11 =	spop (v2sf)  }
0x1ba: {  	s12 =	sadd.s32 $0xFFFFFFD0, s2;
	s7 =	sadd.s32 s7, s11;
	vm12 =	vle.f32 v15, $1.439999980e-02  }
0x1bb: {  	v39 =	vor.u32 s12, v0;
	[tilespmem:s7+$0xA000] =	vst.msk vm12, v15;
	v40 =	vsel vm12, $0x1, v1  }
0x1bc: {  	[tilespmem:s7+$0xC880] =	vst.msk vm12, v39;
	(xrf0) =	vadd.scan.msk.s32 $0xffff, v40  }
0x1bd: {  	v15 =	vld [tilespmem:s3+$0x10]  }
0x1be: {  	v41 =	vld [tilespmem:s1+$0x10];
	_ =	sdelay $0x1  }
0x1bf: {  	v42 =	vld [tilespmem:s5+$0x10];
	_ =	sdelay $0x1  }
0x1c0: {  	v43, _, _ =	vpop (xrf0)  }
0x1c1: {  	v15 =	vmul.f32 v15, v11;
	v16 =	vmul.f32 v41, v12;
	(v2sf) =	vpush v43, $0xF  }
0x1c2: {  	v44 =	vld [tilespmem:s4+$0x10]  }
0x1c3: {  	v45 =	vmul.f32 v42, v13;
	v15 =	vadd.f32 v16, v15;
	_ =	sdelay $0x1  }
0x1c4: {  	v15 =	vadd.f32 v45, v15;
	_ =	sdelay $0x1  }
0x1c5: {  	v46 =	vadd.f32 v44, v14;
	v15 =	vadd.f32 v15, v15;
	_ =	sdelay $0x1  }
0x1c6: {  	v15 =	vsub.f32 v46, v15;
	_ =	sdelay $0x1  }
0x1c7: {  	vm13 =	vle.f32 v15, $1.439999980e-02  }
0x1c8: {  	v47 =	vsel vm13, $0x1, v1  }
0x1c9: {  	(xrf0) =	vadd.scan.msk.s32 $0xffff, v47;
	_ =	sdelay $0x2  }
0x1ca: {  	s13 =	spop (v2sf)  }
0x1cb: {  	s11 =	sadd.s32 $0xFFFFFFE0, s2;
	s7 =	sadd.s32 s7, s13  }
0x1cc: {  	v48 =	vor.u32 s11, v0;
	[tilespmem:s7+$0xA000] =	vst.msk vm13, v15  }
0x1cd: {  	v49, _, _ =	vpop (xrf0);
	[tilespmem:s7+$0xC880] =	vst.msk vm13, v48  }
0x1ce: {  	(v2sf) =	vpush v49, $0xF;
	v50 =	vld [tilespmem:s1+$0x20]  }
0x1cf: {  	v51 =	vld [tilespmem:s3+$0x20];
	_ =	sdelay $0x1  }
0x1d0: {  	v52 =	vld [tilespmem:s5+$0x20];
	_ =	sdelay $0x2  }
0x1d1: {  	v15 =	vmul.f32 v51, v11;
	v16 =	vmul.f32 v50, v12  }
0x1d2: {  	v53 =	vld [tilespmem:s4+$0x20]  }
0x1d3: {  	v54 =	vmul.f32 v52, v13;
	v15 =	vadd.f32 v16, v15;
	_ =	sdelay $0x1  }
0x1d4: {  	v15 =	vadd.f32 v54, v15;
	_ =	sdelay $0x1  }
0x1d5: {  	v55 =	vadd.f32 v53, v14;
	v15 =	vadd.f32 v15, v15;
	_ =	sdelay $0x1  }
0x1d6: {  	v15 =	vsub.f32 v55, v15  }
0x1d7: {  	s12 =	spop (v2sf)  }
0x1d8: {  	s13 =	sadd.s32 $0xFFFFFFF0, s2;
	s7 =	sadd.s32 s7, s12;
	vm14 =	vle.f32 v15, $1.439999980e-02  }
0x1d9: {  	v56 =	vor.u32 s13, v0;
	[tilespmem:s7+$0xA000] =	vst.msk vm14, v15  }
0x1da: {  	[tilespmem:s7+$0xC880] =	vst.msk vm14, v56  }
0x1db: {  	v15 =	vld [tilespmem:s3+$0x30]  }
0x1dc: {  	v57 =	vld [tilespmem:s1+$0x30];
	_ =	sdelay $0x1  }
0x1dd: {  	v58 =	vld [tilespmem:s5+$0x30];
	_ =	sdelay $0x2  }
0x1de: {  	v11 =	vmul.f32 v15, v11;
	v59 =	vmul.f32 v57, v12  }
0x1df: {  	v60 =	vld [tilespmem:s4+$0x30]  }
0x1e0: {  	v61 =	vmul.f32 v58, v13;
	v11 =	vadd.f32 v59, v11;
	_ =	sdelay $0x1  }
0x1e1: {  	v11 =	vadd.f32 v61, v11;
	_ =	sdelay $0x1  }
0x1e2: {  	v62 =	vadd.f32 v60, v14;
	v11 =	vadd.f32 v11, v11;
	_ =	sdelay $0x1  }
0x1e3: {  	v12 =	vsub.f32 v62, v11;
	_ =	sdelay $0x1  }
0x1e4: {  	v11 =	vsel vm14, $0x1, v1;
	vm15 =	vle.f32 v12, $1.439999980e-02  }
0x1e5: {  	(xrf0) =	vadd.scan.msk.s32 $0xffff, v11;
	v11 =	vsel vm15, $0x1, v1  }
0x1e6: {  	(xrf0) =	vadd.scan.msk.s32 $0xffff, v11;
	_ =	sdelay $0x4  }
0x1e7: {  	v11, _, _ =	vpop (xrf0)  }
0x1e8: {  	(v2sf) =	vpush v11, $0xF;
	v11, _, _ =	vpop (xrf0)  }
0x1e9: {  	(v2sf) =	vpush v11, $0xF;
	_ =	sdelay $0xd  }
0x1ea: {  	s9 =	spop (v2sf)  }
0x1eb: {  	s11 =	sadd.s32 s7, s9;
	s12 =	spop (v2sf)  }
0x1ec: {  	s3 =	sadd.s32 s11, s12  }
0x1ed: {  	s1 =	sshll.u32 s0, $0x6;
	s13 =	sadd.s32 $0xFFFFFFFF, s3  }
0x1ee: {  	v11 =	vmov s1;
	p1 =	sgt.u32 s13, $0x3F  }
.Ltmp4:
0x1ef: {  	_ = 	snop;
	(pc) =	sbr.rel @!p1 .LBB2_7-.Ltmp4, $4  }
0x1f0: {  	v63 =	vor.u32 s2, v0;
	[tilespmem:s11+$0xA000] =	vst.msk vm15, v12  }
0x1f1: {  	[tilespmem:s11+$0xC880] =	vst.msk vm15, v63  }
0x1f2: {  	[tilespmem:s3+$0xA000] =	vst v2;
	p0 =	slt.s32 s3, $0x40;
	s2 =	smov.u32 s3  }
0x1f3: {  	s2 =	simm.s32 @!p0 $0x40;
	[tilespmem:v11+s19+$0x0] =	vst.idx.msk $0x1, v10  }
0x1f4: {  	p0 =	slt.s32 s3, $0x41  }
.Ltmp5:
0x1f5: {  	_ = 	snop;
	(pc) =	sbr.rel @p0 .LBB2_18-.Ltmp5, $1  }
0x1f6: {  	_ =	sdelay $0x3  }
0x1f7: {  	s3 =	sadd.s32 $0xF, s3  }
0x1f8: {  	s4 =	sand.u32 $0xF, s3;
	s5 =	sshra.s32 s3, $0x1F  }
.Ltmp6:
0x1f9: {  	p0 =	slt.s32 s3, $0x1;
	p1 =	sne.s32 s4, $0x0;
	(pc) =	sbr.rel .LBB2_10-.Ltmp6, $4  }
0x1fa: {  	s13 =	sshrl.u32 s5, $0x1C;
	p0 =	por !p0, !p1  }
0x1fb: {  	s4 =	simm.s32 $0x1;
	s3 =	sadd.s32 s13, s3;
	p0 =	por !p0, !p0  }
0x1fc: {  	s3 =	sshra.s32 s3, $0x4;
	s4 =	simm.s32 @!p0 $0x0  }
0x1fd: {  	s3 =	ssub.s32 s3, s4;
	s4 =	simm.s32 $0x0  }
.LBB2_11:
0x1fe: {  	v10 =	vimm.s32 $0x8000A000  }
.LBB2_17:
0x1ff: {  	(xrf0) =	vmin.scan.msk.u32 $0xffff, v10;
	_ =	sdelay $0x5  }
0x200: {  	v10, _, _ =	vpop (xrf0)  }
0x201: {  	(v2sf) =	vpush v10, $0xF;
	_ =	sdelay $0xe  }
0x202: {  	s5 =	spop (v2sf)  }
0x203: {  	s5 =	sxor.u32 $0x80000000, s5  }
0x204: {  	v10 =	vmov s5;
	_ =	sdelay $0x3  }
0x205: {  	s13 =	sadd.s32 s1, s4  }
0x206: {  	s4 =	sadd.s32 $0x1, s4;
	v13 =	vmov s13;
	v12 =	vld.idx.msk [tilespmem:v10+s28+$0x0], $0xffff  }
0x207: {  	p0 =	sne.s32 s4, s2  }
.Ltmp7:
0x208: {  	_ = 	snop;
	(pc) =	sbr.rel @!p0 .LBB2_18-.Ltmp7, $3  }
0x209: {  	_ =	sdelay $0x1  }
0x20a: {  	[tilespmem:v13+s19+$0x0] =	vst.idx.msk $0x1, v12  }
0x20b: {  	[tilespmem:v10+s29+$0x0] =	vst.idx.msk $0x1, v2  }
.LBB2_10:
0x20c: {  	p0 =	slt.s32 s3, $0x1  }
.Ltmp8:
0x20d: {  	_ = 	snop;
	(pc) =	sbr.rel @p0 .LBB2_11-.Ltmp8, $1  }
0x20e: {  	_ =	sdelay $0x3  }
0x20f: {  	p0 =	sne.s32 s3, $0x1  }
.Ltmp9:
0x210: {  	_ = 	snop;
	(pc) =	sbr.rel @!p0 .LBB2_14-.Ltmp9, $3  }
0x211: {  	_ =	sdelay $0x1  }
0x212: {  	s5 =	simm.s32 $0xA000  }
0x213: {  	v10 =	vimm.f32 $+Inf;
	s7 =	sadd.s32 $0xFFFFFFFF, s3;
	s9 =	simm.s32 $0xA000;
	v12 =	vld [tilespmem:s5+$0x0]  }
.LBB2_13:
0x214: {  	p1 =	sne.s32 s7, $0x1  }
.Ltmp10:
0x215: {  	_ = 	snop;
	(pc) =	sbr.rel @p1 .LBB2_13-.Ltmp10, $3  }
0x216: {  	_ =	sdelay $0x1  }
0x217: {  	s7 =	sadd.s32 $0xFFFFFFFF, s7;
	s9 =	sadd.s32 $0x10, s9;
	v10 =	vmin.f32 v10, v12  }
0x218: {  	v12 =	vld [tilespmem:s9+$0x0]  }
.LBB2_14:
0x219: {  	_ =	sdelay $0x3  }
0x21a: {  	v10 =	vmin.f32 v10, v12  }
0x21b: {  	(xrf0) =	vmin.scan.msk.f32 $0xffff, v10;
	_ =	sdelay $0x3  }
0x21c: {  	v14 =	vld [tilespmem:s5+$0x0]  }
.Ltmp11:
0x21d: {  	_ = 	snop;
	(pc) =	sbr.rel @!p0 .LBB2_16-.Ltmp11, $4  }
0x21e: {  	v10, _, _ =	vpop (xrf0)  }
0x21f: {  	v12 =	vbroadcast v10, $0xF  }
0x220: {  	s5 =	simm.s32 $0x0  }
0x221: {  	s7 =	sadd.s32 $0xFFFFFFFF, s3;
	s9 =	simm.s32 $0xA010;
	v13 =	vor.u32 s5, v0;
	v10 =	vimm.s32 $0xA000;
	vm0 =	veq.f32 v14, v12  }
.LBB2_15:
0x222: {  	v14 =	vld [tilespmem:s9+$0x0];
	p0 =	sne.s32 s7, $0x1;
	s7 =	sadd.s32 $0xFFFFFFFF, s7;
	v13 =	vnsel vm0, $0xA000, v13  }
.Ltmp12:
0x223: {  	vm0 =	vlt.s32 v10, v13;
	(pc) =	sbr.rel @p0 .LBB2_15-.Ltmp12, $3  }
0x224: {  	v10 =	vsel vm0, v10, v13;
	_ =	sdelay $0x1  }
0x225: {  	s5 =	sadd.s32 $0x10, s5  }
0x226: {  	s9 =	sadd.s32 $0x10, s9;
	v13 =	vor.u32 s5, v0;
	vm0 =	veq.f32 v14, v12  }
.LBB2_16:
.Ltmp13:
0x227: {  	(pc) =	sbr.rel .LBB2_17-.Ltmp13, $4  }
0x228: {  	v12 =	vnsel vm0, $0xA000, v13  }
0x229: {  	vm0 =	vlt.s32 v10, v12  }
0x22a: {  	v10 =	vsel vm0, v10, v12  }
0x22b: {  	v10 =	vxor.u32 $0x80000000, v10  }
.LBB2_19:
0x22c: {  	s0 =	simm.s32 $0x0;
	s1 =	rddreg [dreg:$0x7]  }
0x22d: {  	[hbm4b:s1+s0] =	stream.linear.scatter [tilespmem:s20], [sflag:$0x5], $0x140, $0x38;
	[tilespmem:$0x1C280] =	vst v63  }
0x22e: {  	_ =	swait.ge [sflag:s14], $0x140  }
0x22f: {  	[sflag:s14] =	ssyncset.done $0x0  }
0x230: {  	s11 =	simm.s32 $0xF100;
	[sflag:s14] =	ssyncadd.s32 $0xFFFFFEC0  }
0x231: {  	[tilespmem:s22], [sflag:$0x1] =	stream.indirect.gather [hbm4b:s10+s21], $0x80, s11, s21, $0xb8;
	[tilespmem:$0x1C280] =	vst v63  }
0x232: {  	s12 =	simm.s32 $0xF180  }
0x233: {  	[tilespmem:s23], [sflag:$0x2] =	stream.indirect.gather [hbm4b:s10+s21], $0x80, s12, s21, $0xb8;
	[tilespmem:$0x1C280] =	vst v63  }
0x234: {  	_ =	swait.ge [sflag:s18], $0x4000  }
0x235: {  	[sflag:s18] =	ssyncset.done $0x0  }
0x236: {  	s3 =	rddreg [dreg:$0x9];
	[sflag:s18] =	ssyncadd.s32 $0xFFFFC000  }
0x237: {  	[hbm4b:s3+s6] =	stream.linear.scatter [tilespmem:s22], [sflag:$0x3], $0x4000, $0x38;
	[tilespmem:$0x1C280] =	vst v63  }
0x238: {  	_ =	swait.ge [sflag:s24], $0x4000  }
0x239: {  	[sflag:s24] =	ssyncset.done $0x0  }
0x23a: {  	s13 =	sadd.s32 $0x800, s3;
	[sflag:s24] =	ssyncadd.s32 $0xFFFFC000  }
0x23b: {  	[hbm4b:s13+s6] =	stream.linear.scatter [tilespmem:s23], [sflag:$0x4], $0x4000, $0x38;
	[tilespmem:$0x1C280] =	vst v63  }
0x23c: {  	_ =	swait.ge [sflag:s25], $0x4000  }
0x23d: {  	[sflag:s25] =	ssyncset.done $0x0  }
0x23e: {  	[sflag:s25] =	ssyncadd.s32 $0xFFFFC000  }
0x23f: {  	s2 =	simm.s32 $0x800;
	_ =	swait.ge [sflag:s26], $0x4000  }
0x240: {  	s1 =	simm.s32 $0x100;
	s0 =	sadd.s32 $0x1000, s3;
	[sflag:s26] =	ssyncset.done $0x0  }
.LBB2_20:
0x241: {  	s3 =	sadd.s32 $0xF100, s1  }
0x242: {  	[sflag:s26] =	ssyncadd.s32 $0xFFFFC000;
	s4 =	smov.u32 s2;
	s5 =	sadd.s32 $0x400, s2  }
0x243: {  	[tilespmem:s22], [sflag:$0x1] =	stream.indirect.gather [hbm4b:s10+s21], $0x80, s3, s21, $0xb8;
	[tilespmem:$0x1C280] =	vst v63  }
0x244: {  	p0 =	sne.s32 s2, $0x13C00;
	s1 =	sadd.s32 $0xF180, s1  }
0x245: {  	[tilespmem:s23], [sflag:$0x2] =	stream.indirect.gather [hbm4b:s10+s21], $0x80, s1, s21, $0xb8;
	[tilespmem:$0x1C280] =	vst v63  }
0x246: {  	_ =	swait.ge [sflag:s18], $0x4000  }
0x247: {  	[sflag:s18] =	ssyncset.done $0x0  }
0x248: {  	[sflag:s18] =	ssyncadd.s32 $0xFFFFC000  }
0x249: {  	[hbm4b:s0+s6] =	stream.linear.scatter [tilespmem:s22], [sflag:$0x3], $0x4000, $0x38;
	[tilespmem:$0x1C280] =	vst v63  }
0x24a: {  	_ =	swait.ge [sflag:s24], $0x4000  }
0x24b: {  	[sflag:s24] =	ssyncset.done $0x0  }
0x24c: {  	s1 =	sadd.s32 $0x800, s0;
	[sflag:s24] =	ssyncadd.s32 $0xFFFFC000  }
0x24d: {  	[hbm4b:s1+s6] =	stream.linear.scatter [tilespmem:s23], [sflag:$0x4], $0x4000, $0x38;
	[tilespmem:$0x1C280] =	vst v63  }
.Ltmp14:
0x24e: {  	_ =	swait.ge [sflag:s25], $0x4000;
	(pc) =	sbr.rel @p0 .LBB2_20-.Ltmp14, $4  }
0x24f: {  	[sflag:s25] =	ssyncset.done $0x0  }
0x250: {  	[sflag:s25] =	ssyncadd.s32 $0xFFFFC000  }
0x251: {  	s2 =	smov.u32 s5;
	_ =	swait.ge [sflag:s26], $0x4000  }
0x252: {  	s0 =	sadd.s32 $0x1000, s0;
	s1 =	sshra.s32 s4, $0x2;
	[sflag:s26] =	ssyncset.done $0x0  }
0x253: {  	s2 =	sadd.s32 $0xF100, s1;
	[sflag:s26] =	ssyncadd.s32 $0xFFFFC000  }
0x254: {  	[tilespmem:s22], [sflag:$0x1] =	stream.indirect.gather [hbm4b:s10+s21], $0x80, s2, s21, $0xb8;
	[tilespmem:$0x1C280] =	vst v63  }
0x255: {  	s11 =	sadd.s32 $0xF180, s1  }
0x256: {  	[tilespmem:s23], [sflag:$0x2] =	stream.indirect.gather [hbm4b:s10+s21], $0x80, s11, s21, $0xb8;
	[tilespmem:$0x1C280] =	vst v63  }
0x257: {  	_ =	swait.ge [sflag:s18], $0x4000  }
0x258: {  	[sflag:s18] =	ssyncset.done $0x0  }
0x259: {  	[sflag:s18] =	ssyncadd.s32 $0xFFFFC000  }
0x25a: {  	[hbm4b:s0+s6] =	stream.linear.scatter [tilespmem:s22], [sflag:$0x3], $0x4000, $0x38;
	[tilespmem:$0x1C280] =	vst v63  }
0x25b: {  	_ =	swait.ge [sflag:s24], $0x4000  }
0x25c: {  	[sflag:s24] =	ssyncset.done $0x0  }
0x25d: {  	s12 =	sadd.s32 $0x800, s0;
	[sflag:s24] =	ssyncadd.s32 $0xFFFFC000  }
0x25e: {  	[hbm4b:s12+s6] =	stream.linear.scatter [tilespmem:s23], [sflag:$0x4], $0x4000, $0x38;
	[tilespmem:$0x1C280] =	vst v63  }
0x25f: {  	_ =	swait.ge [sflag:s25], $0x4000  }
0x260: {  	[sflag:s25] =	ssyncset.done $0x0  }
0x261: {  	[sflag:s25] =	ssyncadd.s32 $0xFFFFC000  }
0x262: {  	_ =	swait.ge [sflag:s26], $0x4000  }
0x263: {  	s30 =	sadd.s32 $0x1, s30;
	s13 =	rddreg [dreg:$0x8]  }
0x264: {  	p0 =	sne.s32 s30, s13  }
.Ltmp15:
0x265: {  	_ = 	snop;
	(pc) =	sbr.rel @p0 .LBB2_1-.Ltmp15, $3  }
0x266: {  	_ =	sdelay $0x1  }
0x267: {  	[sflag:s26] =	ssyncset.done $0x0  }
0x268: {  	[sflag:s26] =	ssyncadd.s32 $0xFFFFC000  }
0x269: {  	_ =	sfence.sel $0x180000  }
0x26a: {  	[bflag:$0x0] =	sbarrier.arrive $0xFFFF  }
0x26b: {  	_ =	strace $0x90000047  }
0x26c: {  	s0 =	stileid.u32;
	[bflag:$0x2] =	sbarrier.arrive $0xFFFF  }
0x26d: {  	p0 =	sne.s32 s0, $0x0;
	s0 =	rddreg [dreg:$0x4]  }
0x26e: {  	s0 =	sadd.s32 @!p0 $0x100000, s0  }
0x26f: {  	[sflag:s0] =	ssyncadd.tile.s32 @!p0 $0x1;
	_ =	shalt  }
.Lfunc_end2:
_tile_overlayer_lowered:
.L_overlay_start_2:
0x270: {  	(tag) =	ssettag $0x2  }
0x271: {  	s0 =	rddreg [dreg:$0x0];
	s2 =	stileid.u32  }
0x272: {  	s1 =	rddreg [dreg:$0x1];
	p0 =	sne.s32 s2, $0x0  }
0x273: {  	s3 =	rddreg [dreg:$0x2];
	[bflag:$0x3] =	sbarrier.arrive $0xFFFF;
	s2 =	simm.s32 @!p0 $0x1C05  }
0x274: {  	[timem:s3], [sflag:s2] =	dma.local @!p0 [hbm:s0], s1  }
0x275: {  	s0 =	simm.s32 @!p0 $0x5  }
0x276: {  	_ =	swait.ge @!p0 [sflag:s0], s1  }
0x277: {  	s1 =	ssub.s32 @!p0 $0x0, s1;
	[sflag:s0] =	ssyncset.done @!p0 $0x0  }
0x278: {  	[sflag:s0] =	ssyncadd.s32 @!p0 s1  }
0x279: {  	[bflag:$0x3] =	sbarrier.arrive $0xFFFF  }
0x27a: {  	_ =	shalt  }

</sc_bundles>
